<compile_context>
chip_gen: v7x
topology: tpu7x:2x2x1
jax: 0.10.2.dev20260603
libtpu: 0.0.44.dev20260713+nightly
codegen_flags: <defaults>
</compile_context>

<pallas_src>
import functools

import jax
import jax.numpy as jnp
from jax import lax
from jax.experimental import pallas as pl
from jax.experimental.pallas import tpu as pltpu
from jax.experimental.pallas import tpu_sc as plsc

_TOKENS = 8192
_E = 64
_CAP = 153
_CPAD = 160
_NBLK = _E + 1
_ROWS = _NBLK * _CPAD
_TRASH = _E * _CPAD
_D = 768
_TBLK = 1024
_NTB = _TOKENS // _TBLK
_CHUNK = 128


def _route_body(x_ref, gw_ref, gb_ref, slot_ref, stats_ref, cnt_ref):
    i = pl.program_id(0)

    @pl.when(i == 0)
    def _():
        cnt_ref[...] = jnp.zeros_like(cnt_ref)
        stats_ref[...] = jnp.zeros_like(stats_ref)

    logits = jnp.dot(x_ref[...], gw_ref[...],
                     preferred_element_type=jnp.float32) + gb_ref[...]
    m = jnp.max(logits, axis=1, keepdims=True)
    eio = lax.broadcasted_iota(jnp.int32, (_TBLK, _E), 1)
    assign = jnp.min(jnp.where(logits == m, eio, _E), axis=1)
    oh = (eio == assign[:, None]).astype(jnp.float32)
    r_io = lax.broadcasted_iota(jnp.int32, (_TBLK, _TBLK), 0)
    c_io = lax.broadcasted_iota(jnp.int32, (_TBLK, _TBLK), 1)
    tril = (r_io >= c_io).astype(jnp.float32)
    cum = jnp.dot(tril, oh, preferred_element_type=jnp.float32)
    carry = cnt_ref[...]
    rank = jnp.sum(oh * (cum - 1.0 + carry), axis=1).astype(jnp.int32)
    slot_ref[0, 0, :] = jnp.where(rank < _CAP, assign * _CPAD + rank, _TRASH)
    new_cnt = carry + jnp.sum(oh, axis=0, keepdims=True)
    cnt_ref[...] = new_cnt

    @pl.when(i == _NTB - 1)
    def _():
        avg = jnp.mean(new_cnt)
        loss = jnp.sum((new_cnt - avg) ** 2) / _E
        stats_ref[0:1, 0:_E] = new_cnt
        stats_ref[1:2, 0:1] = loss.reshape(1, 1)


def _route(x, gate_W, gate_b):
    slot3, stats = pl.pallas_call(
        _route_body,
        grid=(_NTB,),
        in_specs=[
            pl.BlockSpec((_TBLK, _D), lambda i: (i, 0)),
            pl.BlockSpec((_D, _E), lambda i: (0, 0)),
            pl.BlockSpec((1, _E), lambda i: (0, 0)),
        ],
        out_specs=[
            pl.BlockSpec((1, 1, _TBLK), lambda i: (i, 0, 0)),
            pl.BlockSpec((8, 128), lambda i: (0, 0)),
        ],
        out_shape=[
            jax.ShapeDtypeStruct((_NTB, 1, _TBLK), jnp.int32),
            jax.ShapeDtypeStruct((8, 128), jnp.float32),
        ],
        scratch_shapes=[pltpu.VMEM((1, _E), jnp.float32)],
    )(x, gate_W, gate_b.reshape(1, _E))
    return slot3.reshape(_TOKENS), stats


def _expert_body(cnt_ref, x_ref, w1_ref, b1_ref, w2_ref, b2_ref, o_ref):
    cnt = cnt_ref[pl.program_id(0)]
    h = jnp.maximum(
        jnp.dot(x_ref[...], w1_ref[0], preferred_element_type=jnp.float32)
        + b1_ref[0], 0.0)
    o = jnp.dot(h, w2_ref[0], preferred_element_type=jnp.float32) + b2_ref[0]
    rows = lax.broadcasted_iota(jnp.int32, (_CPAD, 1), 0)
    o_ref[...] = jnp.where(rows < cnt, o, 0.0)


def _experts(xbuf, W1, b1, W2, b2, counts):
    wmap = lambda e: (jnp.minimum(e, _E - 1), 0, 0)
    return pl.pallas_call(
        _expert_body,
        grid=(_NBLK,),
        in_specs=[
            pl.BlockSpec(memory_space=pltpu.SMEM),
            pl.BlockSpec((_CPAD, _D), lambda e: (e, 0)),
            pl.BlockSpec((1, _D, _D), wmap),
            pl.BlockSpec((1, 1, _D), wmap),
            pl.BlockSpec((1, _D, _D), wmap),
            pl.BlockSpec((1, 1, _D), wmap),
        ],
        out_specs=pl.BlockSpec((_CPAD, _D), lambda e: (e, 0)),
        out_shape=jax.ShapeDtypeStruct((_ROWS, _D), jnp.float32),
    )(counts, xbuf, W1, b1.reshape(_E, 1, _D), W2, b2.reshape(_E, 1, _D))


def _sc_dispatch(x, slot):
    info = plsc.get_sparse_core_info()
    nw = info.num_cores * info.num_subcores
    per_w = _TOKENS // nw
    mesh = plsc.VectorSubcoreMesh(core_axis_name="c", subcore_axis_name="s")

    @functools.partial(
        pl.kernel,
        out_type=jax.ShapeDtypeStruct((_ROWS, _D), jnp.float32),
        mesh=mesh,
        scratch_types=[
            pltpu.VMEM((_CHUNK,), jnp.int32),
            pltpu.VMEM((_CHUNK, _D), jnp.float32),
            pltpu.SemaphoreType.DMA,
        ],
    )
    def k(x_hbm, slot_hbm, xbuf_hbm, idx_v, rows_v, sem):
        wid = lax.axis_index("s") * info.num_cores + lax.axis_index("c")
        for j in range(per_w // _CHUNK):
            base = wid * per_w + j * _CHUNK
            pltpu.sync_copy(slot_hbm.at[pl.ds(base, _CHUNK)], idx_v)
            pltpu.sync_copy(x_hbm.at[pl.ds(base, _CHUNK)], rows_v)
            pltpu.async_copy(rows_v, xbuf_hbm.at[idx_v], sem).wait()

    return k(x, slot)


def _sc_combine(obuf, slot):
    info = plsc.get_sparse_core_info()
    nw = info.num_cores * info.num_subcores
    per_w = _TOKENS // nw
    mesh = plsc.VectorSubcoreMesh(core_axis_name="c", subcore_axis_name="s")

    @functools.partial(
        pl.kernel,
        out_type=jax.ShapeDtypeStruct((_TOKENS, _D), jnp.float32),
        mesh=mesh,
        scratch_types=[
            pltpu.VMEM((_CHUNK,), jnp.int32),
            pltpu.VMEM((_CHUNK, _D), jnp.float32),
            pltpu.SemaphoreType.DMA,
        ],
    )
    def k(obuf_hbm, slot_hbm, out_hbm, idx_v, rows_v, sem):
        wid = lax.axis_index("s") * info.num_cores + lax.axis_index("c")
        for j in range(per_w // _CHUNK):
            base = wid * per_w + j * _CHUNK
            pltpu.sync_copy(slot_hbm.at[pl.ds(base, _CHUNK)], idx_v)
            pltpu.async_copy(obuf_hbm.at[idx_v], rows_v, sem).wait()
            pltpu.sync_copy(rows_v, out_hbm.at[pl.ds(base, _CHUNK)])

    return k(obuf, slot)


def kernel(x, gate_W, gate_b, W1, b1, W2, b2, balance_weight):
    slot, stats = _route(x, gate_W, gate_b)
    loss = stats[1, 0] * balance_weight
    counts = jnp.minimum(stats[0, :_E].astype(jnp.int32), _CAP)
    counts = jnp.concatenate([counts, jnp.zeros((1,), jnp.int32)])
    xbuf = _sc_dispatch(x, slot)
    obuf = _experts(xbuf, W1, b1, W2, b2, counts)
    out = _sc_combine(obuf, slot)
    return (out, loss)

# --- scband reference (transcript-rebuilt; emitter-appended) ---
"""Pipeline reference for scband-balanced-mo-e-4870492913689 (READ-ONLY COPY).

The authoritative reference and input builder live on the scoring server;
editing this copy changes nothing except your own understanding.
"""

import jax, jax.numpy as jnp
import numpy as np

INPUT_DIM = 768
OUTPUT_DIM = 768
NUM_EXPERTS = 64
EXPERT_DIM = 768
CAPACITY_FACTOR = 1.2
TOKENS = 8192

def _uniform(key, shape, fan_in):
    bound = 1.0 / np.sqrt(fan_in)
    return jax.random.uniform(key, shape, minval=-bound, maxval=bound, dtype=jnp.float32)

def setup_inputs(seed: int = 0) -> dict:
    key = jax.random.key(seed)
    ks = jax.random.split(key, 8)
    x = jax.random.normal(ks[0], (TOKENS, INPUT_DIM), dtype=jnp.float32)
    gate_W = _uniform(ks[1], (INPUT_DIM, NUM_EXPERTS), INPUT_DIM)
    gate_b = _uniform(ks[2], (NUM_EXPERTS,), INPUT_DIM)
    W1 = _uniform(ks[3], (NUM_EXPERTS, INPUT_DIM, EXPERT_DIM), INPUT_DIM)
    b1 = _uniform(ks[4], (NUM_EXPERTS, EXPERT_DIM), INPUT_DIM)
    W2 = _uniform(ks[5], (NUM_EXPERTS, EXPERT_DIM, OUTPUT_DIM), EXPERT_DIM)
    b2 = _uniform(ks[6], (NUM_EXPERTS, OUTPUT_DIM), EXPERT_DIM)
    balance_weight = jnp.asarray(0.01, dtype=jnp.float32)
    return {"x": x, "gate_W": gate_W, "gate_b": gate_b, "W1": W1, "b1": b1, "W2": W2, "b2": b2, "balance_weight": balance_weight}

def reference(x, gate_W, gate_b, W1, b1, W2, b2, balance_weight):
    tokens = x.shape[0]
    E = gate_W.shape[1]
    capacity = int(CAPACITY_FACTOR * tokens / E)
    gate_logits = x @ gate_W + gate_b
    gate_probs = jax.nn.softmax(gate_logits, axis=1)
    top_probs, top_experts = jax.lax.top_k(gate_probs, 1)
    assign = top_experts[:, 0]
    output = jnp.zeros((tokens, W2.shape[2]), dtype=x.dtype)
    loads = []
    for e in range(E):
        mask = assign == e
        # deterministic capacity selection: stable argsort puts assigned tokens first
        order = jnp.argsort(jnp.where(mask, 0, 1))
        idx = order[:capacity]
        valid = mask[idx].astype(x.dtype)
        xs = jnp.take(x, idx, axis=0)
        h = jax.nn.relu(xs @ W1[e] + b1[e])
        oe = (h @ W2[e] + b2[e]) * valid[:, None]
        output = output.at[idx].add(oe)
        loads.append(jnp.sum(mask))
    loads = jnp.stack(loads).astype(jnp.float32)
    avg_load = jnp.mean(loads)
    balance_loss = jnp.sum((loads - avg_load) ** 2) / E
    return (output, balance_loss * balance_weight)

if __name__ == "__main__":
    import jax
    _d = setup_inputs()
    print(jax.jit(kernel)(*tuple(_d.values())))

</pallas_src>

<mosaic_0001>
#map = affine_map<(d0, d1) -> (0, 0)>
#map1 = affine_map<(d0, d1) -> (0)>
module attributes {stable_mosaic.version = 14 : i64} {
  func.func @k(%arg0: i32, %arg1: i32, %arg2: memref<10400x768xf32, #tpu.memory_space<hbm>>, %arg3: memref<8192xi32, #tpu.memory_space<hbm>>, %arg4: memref<8192x768xf32, #tpu.memory_space<hbm>>, %arg5: memref<128xi32, #tpu.memory_space<vmem>>, %arg6: memref<128x768xf32, #tpu.memory_space<vmem>>, %arg7: memref<!tpu.dma_semaphore, #tpu.memory_space<semaphore_mem>>) attributes {dimension_semantics = [#tpu.dimension_semantics<core_parallel>, #tpu.dimension_semantics<subcore_parallel>], iteration_bounds = array<i64: 2, 16>, scalar_prefetch = 0 : i64, scratch_operands = 3 : i64, tpu.core_type = #tpu.core_type<sc_vector_subcore>, window_params = [{transform_indices = #map}, {transform_indices = #map1}, {transform_indices = #map}]} {
    %mul3A = arith.constant 2 : i32
    %mul3A_0 = arith.muli %arg1, %mul3A : i32
    %add3A = arith.addi %mul3A_0, %arg0 : i32
    %mul3A_1 = arith.constant 256 : i32
    %mul3A_2 = arith.muli %add3A, %mul3A_1 : i32
    %add3A_3 = arith.constant 0 : i32
    %add3A_4 = arith.addi %mul3A_2, %add3A_3 : i32
    "tpu.region"() ({
      %run_scoped3A = tpu.sem_alloc : memref<!tpu.dma_semaphore, #tpu.memory_space<semaphore_mem>>
      %dma_start3A_19 = tpu.memref_slice %arg3[%add3A_4] : memref<8192xi32, #tpu.memory_space<hbm>> -> memref<128xi32, #tpu.memory_space<hbm>>
      %dma_start3A_20 = tpu.memref_slice %arg3[%add3A_4] : memref<8192xi32, #tpu.memory_space<hbm>> -> memref<128xi32, #tpu.memory_space<hbm>>
      tpu.enqueue_dma source(%dma_start3A_20 : memref<128xi32, #tpu.memory_space<hbm>>) target(%arg5 : memref<128xi32, #tpu.memory_space<vmem>>) target_semaphore(%run_scoped3A : memref<!tpu.dma_semaphore, #tpu.memory_space<semaphore_mem>>)
      %dma_wait3A_21 = tpu.memref_slice %arg3[%add3A_4] : memref<8192xi32, #tpu.memory_space<hbm>> -> memref<128xi32, #tpu.memory_space<hbm>>
      %dma_wait3A_22 = tpu.memref_slice %arg3[%add3A_4] : memref<8192xi32, #tpu.memory_space<hbm>> -> memref<128xi32, #tpu.memory_space<hbm>>
      tpu.wait_dma2 semaphore(%run_scoped3A : memref<!tpu.dma_semaphore, #tpu.memory_space<semaphore_mem>>) src(%dma_wait3A_22 : memref<128xi32, #tpu.memory_space<hbm>>) dst(%arg5 : memref<128xi32, #tpu.memory_space<vmem>>)
      tpu.yield
    }) : () -> ()
    %dma_start3A = arith.constant 0 : i32
    %dma_start3A_5 = arith.constant 0 : i32
    %dma_start3A_6 = tpu.memref_slice %arg2[%dma_start3A, %dma_start3A_5] : memref<10400x768xf32, #tpu.memory_space<hbm>> -> memref<10400x768xf32, #tpu.memory_space<hbm>>
    tpu.enqueue_indirect_dma source(%dma_start3A_6 : memref<10400x768xf32, #tpu.memory_space<hbm>>) target(%arg6 : memref<128x768xf32, #tpu.memory_space<vmem>>) offsets(%arg5 : memref<128xi32, #tpu.memory_space<vmem>>) semaphore(%arg7 : memref<!tpu.dma_semaphore, #tpu.memory_space<semaphore_mem>>)
    %dma_wait3A = arith.constant 0 : i32
    %dma_wait3A_7 = arith.constant 0 : i32
    %dma_wait3A_8 = tpu.memref_slice %arg2[%dma_wait3A, %dma_wait3A_7] : memref<10400x768xf32, #tpu.memory_space<hbm>> -> memref<10400x768xf32, #tpu.memory_space<hbm>>
    tpu.wait_indirect_dma semaphore(%arg7 : memref<!tpu.dma_semaphore, #tpu.memory_space<semaphore_mem>>) src(%dma_wait3A_8 : memref<10400x768xf32, #tpu.memory_space<hbm>>) dst(%arg6 : memref<128x768xf32, #tpu.memory_space<vmem>>)
    "tpu.region"() ({
      %run_scoped3A = tpu.sem_alloc : memref<!tpu.dma_semaphore, #tpu.memory_space<semaphore_mem>>
      %dma_start3A_19 = arith.constant 0 : i32
      %dma_start3A_20 = tpu.memref_slice %arg4[%add3A_4, %dma_start3A_19] : memref<8192x768xf32, #tpu.memory_space<hbm>> -> memref<128x768xf32, #tpu.memory_space<hbm>>
      %dma_start3A_21 = arith.constant 0 : i32
      %dma_start3A_22 = tpu.memref_slice %arg4[%add3A_4, %dma_start3A_21] : memref<8192x768xf32, #tpu.memory_space<hbm>> -> memref<128x768xf32, #tpu.memory_space<hbm>>
      tpu.enqueue_dma source(%arg6 : memref<128x768xf32, #tpu.memory_space<vmem>>) target(%dma_start3A_22 : memref<128x768xf32, #tpu.memory_space<hbm>>) target_semaphore(%run_scoped3A : memref<!tpu.dma_semaphore, #tpu.memory_space<semaphore_mem>>)
      %dma_wait3A_23 = arith.constant 0 : i32
      %dma_wait3A_24 = tpu.memref_slice %arg4[%add3A_4, %dma_wait3A_23] : memref<8192x768xf32, #tpu.memory_space<hbm>> -> memref<128x768xf32, #tpu.memory_space<hbm>>
      %dma_wait3A_25 = arith.constant 0 : i32
      %dma_wait3A_26 = tpu.memref_slice %arg4[%add3A_4, %dma_wait3A_25] : memref<8192x768xf32, #tpu.memory_space<hbm>> -> memref<128x768xf32, #tpu.memory_space<hbm>>
      tpu.wait_dma2 semaphore(%run_scoped3A : memref<!tpu.dma_semaphore, #tpu.memory_space<semaphore_mem>>) src(%arg6 : memref<128x768xf32, #tpu.memory_space<vmem>>) dst(%dma_wait3A_26 : memref<128x768xf32, #tpu.memory_space<hbm>>)
      tpu.yield
    }) : () -> ()
    %mul3A_9 = arith.constant 256 : i32
    %mul3A_10 = arith.muli %add3A, %mul3A_9 : i32
    %add3A_11 = arith.constant 128 : i32
    %add3A_12 = arith.addi %mul3A_10, %add3A_11 : i32
    "tpu.region"() ({
      %run_scoped3A = tpu.sem_alloc : memref<!tpu.dma_semaphore, #tpu.memory_space<semaphore_mem>>
      %dma_start3A_19 = tpu.memref_slice %arg3[%add3A_12] : memref<8192xi32, #tpu.memory_space<hbm>> -> memref<128xi32, #tpu.memory_space<hbm>>
      %dma_start3A_20 = tpu.memref_slice %arg3[%add3A_12] : memref<8192xi32, #tpu.memory_space<hbm>> -> memref<128xi32, #tpu.memory_space<hbm>>
      tpu.enqueue_dma source(%dma_start3A_20 : memref<128xi32, #tpu.memory_space<hbm>>) target(%arg5 : memref<128xi32, #tpu.memory_space<vmem>>) target_semaphore(%run_scoped3A : memref<!tpu.dma_semaphore, #tpu.memory_space<semaphore_mem>>)
      %dma_wait3A_21 = tpu.memref_slice %arg3[%add3A_12] : memref<8192xi32, #tpu.memory_space<hbm>> -> memref<128xi32, #tpu.memory_space<hbm>>
      %dma_wait3A_22 = tpu.memref_slice %arg3[%add3A_12] : memref<8192xi32, #tpu.memory_space<hbm>> -> memref<128xi32, #tpu.memory_space<hbm>>
      tpu.wait_dma2 semaphore(%run_scoped3A : memref<!tpu.dma_semaphore, #tpu.memory_space<semaphore_mem>>) src(%dma_wait3A_22 : memref<128xi32, #tpu.memory_space<hbm>>) dst(%arg5 : memref<128xi32, #tpu.memory_space<vmem>>)
      tpu.yield
    }) : () -> ()
    %dma_start3A_13 = arith.constant 0 : i32
    %dma_start3A_14 = arith.constant 0 : i32
    %dma_start3A_15 = tpu.memref_slice %arg2[%dma_start3A_13, %dma_start3A_14] : memref<10400x768xf32, #tpu.memory_space<hbm>> -> memref<10400x768xf32, #tpu.memory_space<hbm>>
    tpu.enqueue_indirect_dma source(%dma_start3A_15 : memref<10400x768xf32, #tpu.memory_space<hbm>>) target(%arg6 : memref<128x768xf32, #tpu.memory_space<vmem>>) offsets(%arg5 : memref<128xi32, #tpu.memory_space<vmem>>) semaphore(%arg7 : memref<!tpu.dma_semaphore, #tpu.memory_space<semaphore_mem>>)
    %dma_wait3A_16 = arith.constant 0 : i32
    %dma_wait3A_17 = arith.constant 0 : i32
    %dma_wait3A_18 = tpu.memref_slice %arg2[%dma_wait3A_16, %dma_wait3A_17] : memref<10400x768xf32, #tpu.memory_space<hbm>> -> memref<10400x768xf32, #tpu.memory_space<hbm>>
    tpu.wait_indirect_dma semaphore(%arg7 : memref<!tpu.dma_semaphore, #tpu.memory_space<semaphore_mem>>) src(%dma_wait3A_18 : memref<10400x768xf32, #tpu.memory_space<hbm>>) dst(%arg6 : memref<128x768xf32, #tpu.memory_space<vmem>>)
    "tpu.region"() ({
      %run_scoped3A = tpu.sem_alloc : memref<!tpu.dma_semaphore, #tpu.memory_space<semaphore_mem>>
      %dma_start3A_19 = arith.constant 0 : i32
      %dma_start3A_20 = tpu.memref_slice %arg4[%add3A_12, %dma_start3A_19] : memref<8192x768xf32, #tpu.memory_space<hbm>> -> memref<128x768xf32, #tpu.memory_space<hbm>>
      %dma_start3A_21 = arith.constant 0 : i32
      %dma_start3A_22 = tpu.memref_slice %arg4[%add3A_12, %dma_start3A_21] : memref<8192x768xf32, #tpu.memory_space<hbm>> -> memref<128x768xf32, #tpu.memory_space<hbm>>
      tpu.enqueue_dma source(%arg6 : memref<128x768xf32, #tpu.memory_space<vmem>>) target(%dma_start3A_22 : memref<128x768xf32, #tpu.memory_space<hbm>>) target_semaphore(%run_scoped3A : memref<!tpu.dma_semaphore, #tpu.memory_space<semaphore_mem>>)
      %dma_wait3A_23 = arith.constant 0 : i32
      %dma_wait3A_24 = tpu.memref_slice %arg4[%add3A_12, %dma_wait3A_23] : memref<8192x768xf32, #tpu.memory_space<hbm>> -> memref<128x768xf32, #tpu.memory_space<hbm>>
      %dma_wait3A_25 = arith.constant 0 : i32
      %dma_wait3A_26 = tpu.memref_slice %arg4[%add3A_12, %dma_wait3A_25] : memref<8192x768xf32, #tpu.memory_space<hbm>> -> memref<128x768xf32, #tpu.memory_space<hbm>>
      tpu.wait_dma2 semaphore(%run_scoped3A : memref<!tpu.dma_semaphore, #tpu.memory_space<semaphore_mem>>) src(%arg6 : memref<128x768xf32, #tpu.memory_space<vmem>>) dst(%dma_wait3A_26 : memref<128x768xf32, #tpu.memory_space<hbm>>)
      tpu.yield
    }) : () -> ()
    return
  }
}

#map = affine_map<(d0, d1) -> (0, 0)>
#map1 = affine_map<(d0, d1) -> (0)>
module attributes {stable_mosaic.version = 14 : i64} {
  func.func @k(%arg0: i32, %arg1: i32, %arg2: memref<8192x768xf32, #tpu.memory_space<hbm>>, %arg3: memref<8192xi32, #tpu.memory_space<hbm>>, %arg4: memref<10400x768xf32, #tpu.memory_space<hbm>>, %arg5: memref<128xi32, #tpu.memory_space<vmem>>, %arg6: memref<128x768xf32, #tpu.memory_space<vmem>>, %arg7: memref<!tpu.dma_semaphore, #tpu.memory_space<semaphore_mem>>) attributes {dimension_semantics = [#tpu.dimension_semantics<core_parallel>, #tpu.dimension_semantics<subcore_parallel>], iteration_bounds = array<i64: 2, 16>, scalar_prefetch = 0 : i64, scratch_operands = 3 : i64, tpu.core_type = #tpu.core_type<sc_vector_subcore>, window_params = [{transform_indices = #map}, {transform_indices = #map1}, {transform_indices = #map}]} {
    %mul3A = arith.constant 2 : i32
    %mul3A_0 = arith.muli %arg1, %mul3A : i32
    %add3A = arith.addi %mul3A_0, %arg0 : i32
    %mul3A_1 = arith.constant 256 : i32
    %mul3A_2 = arith.muli %add3A, %mul3A_1 : i32
    %add3A_3 = arith.constant 0 : i32
    %add3A_4 = arith.addi %mul3A_2, %add3A_3 : i32
    "tpu.region"() ({
      %run_scoped3A = tpu.sem_alloc : memref<!tpu.dma_semaphore, #tpu.memory_space<semaphore_mem>>
      %dma_start3A_19 = tpu.memref_slice %arg3[%add3A_4] : memref<8192xi32, #tpu.memory_space<hbm>> -> memref<128xi32, #tpu.memory_space<hbm>>
      %dma_start3A_20 = tpu.memref_slice %arg3[%add3A_4] : memref<8192xi32, #tpu.memory_space<hbm>> -> memref<128xi32, #tpu.memory_space<hbm>>
      tpu.enqueue_dma source(%dma_start3A_20 : memref<128xi32, #tpu.memory_space<hbm>>) target(%arg5 : memref<128xi32, #tpu.memory_space<vmem>>) target_semaphore(%run_scoped3A : memref<!tpu.dma_semaphore, #tpu.memory_space<semaphore_mem>>)
      %dma_wait3A_21 = tpu.memref_slice %arg3[%add3A_4] : memref<8192xi32, #tpu.memory_space<hbm>> -> memref<128xi32, #tpu.memory_space<hbm>>
      %dma_wait3A_22 = tpu.memref_slice %arg3[%add3A_4] : memref<8192xi32, #tpu.memory_space<hbm>> -> memref<128xi32, #tpu.memory_space<hbm>>
      tpu.wait_dma2 semaphore(%run_scoped3A : memref<!tpu.dma_semaphore, #tpu.memory_space<semaphore_mem>>) src(%dma_wait3A_22 : memref<128xi32, #tpu.memory_space<hbm>>) dst(%arg5 : memref<128xi32, #tpu.memory_space<vmem>>)
      tpu.yield
    }) : () -> ()
    "tpu.region"() ({
      %run_scoped3A = tpu.sem_alloc : memref<!tpu.dma_semaphore, #tpu.memory_space<semaphore_mem>>
      %dma_start3A_19 = arith.constant 0 : i32
      %dma_start3A_20 = tpu.memref_slice %arg2[%add3A_4, %dma_start3A_19] : memref<8192x768xf32, #tpu.memory_space<hbm>> -> memref<128x768xf32, #tpu.memory_space<hbm>>
      %dma_start3A_21 = arith.constant 0 : i32
      %dma_start3A_22 = tpu.memref_slice %arg2[%add3A_4, %dma_start3A_21] : memref<8192x768xf32, #tpu.memory_space<hbm>> -> memref<128x768xf32, #tpu.memory_space<hbm>>
      tpu.enqueue_dma source(%dma_start3A_22 : memref<128x768xf32, #tpu.memory_space<hbm>>) target(%arg6 : memref<128x768xf32, #tpu.memory_space<vmem>>) target_semaphore(%run_scoped3A : memref<!tpu.dma_semaphore, #tpu.memory_space<semaphore_mem>>)
      %dma_wait3A_23 = arith.constant 0 : i32
      %dma_wait3A_24 = tpu.memref_slice %arg2[%add3A_4, %dma_wait3A_23] : memref<8192x768xf32, #tpu.memory_space<hbm>> -> memref<128x768xf32, #tpu.memory_space<hbm>>
      %dma_wait3A_25 = arith.constant 0 : i32
      %dma_wait3A_26 = tpu.memref_slice %arg2[%add3A_4, %dma_wait3A_25] : memref<8192x768xf32, #tpu.memory_space<hbm>> -> memref<128x768xf32, #tpu.memory_space<hbm>>
      tpu.wait_dma2 semaphore(%run_scoped3A : memref<!tpu.dma_semaphore, #tpu.memory_space<semaphore_mem>>) src(%dma_wait3A_26 : memref<128x768xf32, #tpu.memory_space<hbm>>) dst(%arg6 : memref<128x768xf32, #tpu.memory_space<vmem>>)
      tpu.yield
    }) : () -> ()
    %dma_start3A = arith.constant 0 : i32
    %dma_start3A_5 = arith.constant 0 : i32
    %dma_start3A_6 = tpu.memref_slice %arg4[%dma_start3A, %dma_start3A_5] : memref<10400x768xf32, #tpu.memory_space<hbm>> -> memref<10400x768xf32, #tpu.memory_space<hbm>>
    tpu.enqueue_indirect_dma source(%arg6 : memref<128x768xf32, #tpu.memory_space<vmem>>) target(%dma_start3A_6 : memref<10400x768xf32, #tpu.memory_space<hbm>>) offsets(%arg5 : memref<128xi32, #tpu.memory_space<vmem>>) semaphore(%arg7 : memref<!tpu.dma_semaphore, #tpu.memory_space<semaphore_mem>>)
    %dma_wait3A = arith.constant 0 : i32
    %dma_wait3A_7 = arith.constant 0 : i32
    %dma_wait3A_8 = tpu.memref_slice %arg4[%dma_wait3A, %dma_wait3A_7] : memref<10400x768xf32, #tpu.memory_space<hbm>> -> memref<10400x768xf32, #tpu.memory_space<hbm>>
    tpu.wait_indirect_dma semaphore(%arg7 : memref<!tpu.dma_semaphore, #tpu.memory_space<semaphore_mem>>) src(%arg6 : memref<128x768xf32, #tpu.memory_space<vmem>>) dst(%dma_wait3A_8 : memref<10400x768xf32, #tpu.memory_space<hbm>>)
    %mul3A_9 = arith.constant 256 : i32
    %mul3A_10 = arith.muli %add3A, %mul3A_9 : i32
    %add3A_11 = arith.constant 128 : i32
    %add3A_12 = arith.addi %mul3A_10, %add3A_11 : i32
    "tpu.region"() ({
      %run_scoped3A = tpu.sem_alloc : memref<!tpu.dma_semaphore, #tpu.memory_space<semaphore_mem>>
      %dma_start3A_19 = tpu.memref_slice %arg3[%add3A_12] : memref<8192xi32, #tpu.memory_space<hbm>> -> memref<128xi32, #tpu.memory_space<hbm>>
      %dma_start3A_20 = tpu.memref_slice %arg3[%add3A_12] : memref<8192xi32, #tpu.memory_space<hbm>> -> memref<128xi32, #tpu.memory_space<hbm>>
      tpu.enqueue_dma source(%dma_start3A_20 : memref<128xi32, #tpu.memory_space<hbm>>) target(%arg5 : memref<128xi32, #tpu.memory_space<vmem>>) target_semaphore(%run_scoped3A : memref<!tpu.dma_semaphore, #tpu.memory_space<semaphore_mem>>)
      %dma_wait3A_21 = tpu.memref_slice %arg3[%add3A_12] : memref<8192xi32, #tpu.memory_space<hbm>> -> memref<128xi32, #tpu.memory_space<hbm>>
      %dma_wait3A_22 = tpu.memref_slice %arg3[%add3A_12] : memref<8192xi32, #tpu.memory_space<hbm>> -> memref<128xi32, #tpu.memory_space<hbm>>
      tpu.wait_dma2 semaphore(%run_scoped3A : memref<!tpu.dma_semaphore, #tpu.memory_space<semaphore_mem>>) src(%dma_wait3A_22 : memref<128xi32, #tpu.memory_space<hbm>>) dst(%arg5 : memref<128xi32, #tpu.memory_space<vmem>>)
      tpu.yield
    }) : () -> ()
    "tpu.region"() ({
      %run_scoped3A = tpu.sem_alloc : memref<!tpu.dma_semaphore, #tpu.memory_space<semaphore_mem>>
      %dma_start3A_19 = arith.constant 0 : i32
      %dma_start3A_20 = tpu.memref_slice %arg2[%add3A_12, %dma_start3A_19] : memref<8192x768xf32, #tpu.memory_space<hbm>> -> memref<128x768xf32, #tpu.memory_space<hbm>>
      %dma_start3A_21 = arith.constant 0 : i32
      %dma_start3A_22 = tpu.memref_slice %arg2[%add3A_12, %dma_start3A_21] : memref<8192x768xf32, #tpu.memory_space<hbm>> -> memref<128x768xf32, #tpu.memory_space<hbm>>
      tpu.enqueue_dma source(%dma_start3A_22 : memref<128x768xf32, #tpu.memory_space<hbm>>) target(%arg6 : memref<128x768xf32, #tpu.memory_space<vmem>>) target_semaphore(%run_scoped3A : memref<!tpu.dma_semaphore, #tpu.memory_space<semaphore_mem>>)
      %dma_wait3A_23 = arith.constant 0 : i32
      %dma_wait3A_24 = tpu.memref_slice %arg2[%add3A_12, %dma_wait3A_23] : memref<8192x768xf32, #tpu.memory_space<hbm>> -> memref<128x768xf32, #tpu.memory_space<hbm>>
      %dma_wait3A_25 = arith.constant 0 : i32
      %dma_wait3A_26 = tpu.memref_slice %arg2[%add3A_12, %dma_wait3A_25] : memref<8192x768xf32, #tpu.memory_space<hbm>> -> memref<128x768xf32, #tpu.memory_space<hbm>>
      tpu.wait_dma2 semaphore(%run_scoped3A : memref<!tpu.dma_semaphore, #tpu.memory_space<semaphore_mem>>) src(%dma_wait3A_26 : memref<128x768xf32, #tpu.memory_space<hbm>>) dst(%arg6 : memref<128x768xf32, #tpu.memory_space<vmem>>)
      tpu.yield
    }) : () -> ()
    %dma_start3A_13 = arith.constant 0 : i32
    %dma_start3A_14 = arith.constant 0 : i32
    %dma_start3A_15 = tpu.memref_slice %arg4[%dma_start3A_13, %dma_start3A_14] : memref<10400x768xf32, #tpu.memory_space<hbm>> -> memref<10400x768xf32, #tpu.memory_space<hbm>>
    tpu.enqueue_indirect_dma source(%arg6 : memref<128x768xf32, #tpu.memory_space<vmem>>) target(%dma_start3A_15 : memref<10400x768xf32, #tpu.memory_space<hbm>>) offsets(%arg5 : memref<128xi32, #tpu.memory_space<vmem>>) semaphore(%arg7 : memref<!tpu.dma_semaphore, #tpu.memory_space<semaphore_mem>>)
    %dma_wait3A_16 = arith.constant 0 : i32
    %dma_wait3A_17 = arith.constant 0 : i32
    %dma_wait3A_18 = tpu.memref_slice %arg4[%dma_wait3A_16, %dma_wait3A_17] : memref<10400x768xf32, #tpu.memory_space<hbm>> -> memref<10400x768xf32, #tpu.memory_space<hbm>>
    tpu.wait_indirect_dma semaphore(%arg7 : memref<!tpu.dma_semaphore, #tpu.memory_space<semaphore_mem>>) src(%arg6 : memref<128x768xf32, #tpu.memory_space<vmem>>) dst(%dma_wait3A_18 : memref<10400x768xf32, #tpu.memory_space<hbm>>)
    return
  }
}

module attributes {stable_mosaic.version = 14 : i64} {
  func.func @_route_body(%arg0: i32, %arg1: memref<1024x768xf32, #tpu.memory_space<vmem>>, %arg2: memref<768x64xf32, #tpu.memory_space<vmem>>, %arg3: memref<1x64xf32, #tpu.memory_space<vmem>>, %arg4: memref<1x1x1024xi32, #tpu.memory_space<vmem>>, %arg5: memref<8x128xf32, #tpu.memory_space<vmem>>, %arg6: memref<1x64xf32, #tpu.memory_space<vmem>>) attributes {dimension_semantics = [#tpu.dimension_semantics<arbitrary>], iteration_bounds = array<i64: 8>, scalar_prefetch = 0 : i64, scratch_operands = 1 : i64, tpu.core_type = #tpu.core_type<tc>, window_params = [{transform_indices = @transform_0, window_bounds = array<i64: 1024, 768>}, {pipeline_mode = #tpu.pipeline_mode<synchronous>, transform_indices = @transform_1, window_bounds = array<i64: 768, 64>}, {pipeline_mode = #tpu.pipeline_mode<synchronous>, transform_indices = @transform_2, window_bounds = array<i64: 1, 64>}, {transform_indices = @transform_3, window_bounds = array<i64: 1, 1, 1024>}, {pipeline_mode = #tpu.pipeline_mode<synchronous>, transform_indices = @transform_4, window_bounds = array<i64: 8, 128>}]} {
    %eq3A = arith.constant 0 : i32
    %eq3A_0 = arith.cmpi eq, %arg0, %eq3A : i32
    %convert_element_type3A = arith.extui %eq3A_0 : i1 to i32
    %cond3A = arith.constant 0 : i32
    %cond3A_1 = arith.cmpi ne, %convert_element_type3A, %cond3A : i32
    scf.if %cond3A_1 {
      %broadcast_in_dim3A_63 = arith.constant 0.000000e+00 : f32
      %broadcast_in_dim3A_64 = vector.broadcast %broadcast_in_dim3A_63 : f32 to vector<1x64xf32>
      %swap3A_65 = arith.constant 0 : index
      %swap3A_66 = arith.constant 0 : index
      %swap3A_67 = vector.load %arg6[%swap3A_65, %swap3A_66] : memref<1x64xf32, #tpu.memory_space<vmem>>, vector<1x64xf32>
      tpu.vector_store %arg6[%swap3A_65, %swap3A_66], %broadcast_in_dim3A_64 {strides = array<i32>} : memref<1x64xf32, #tpu.memory_space<vmem>>, vector<1x64xf32>,
      %broadcast_in_dim3A_68 = arith.constant 0.000000e+00 : f32
      %broadcast_in_dim3A_69 = vector.broadcast %broadcast_in_dim3A_68 : f32 to vector<8x128xf32>
      %swap3A_70 = arith.constant 0 : index
      %swap3A_71 = arith.constant 0 : index
      %swap3A_72 = vector.load %arg5[%swap3A_70, %swap3A_71] : memref<8x128xf32, #tpu.memory_space<vmem>>, vector<8x128xf32>
      tpu.vector_store %arg5[%swap3A_70, %swap3A_71], %broadcast_in_dim3A_69 {strides = array<i32>} : memref<8x128xf32, #tpu.memory_space<vmem>>, vector<8x128xf32>,
    } else {
    }
    %get3A = arith.constant 0 : index
    %get3A_2 = arith.constant 0 : index
    %get3A_3 = vector.load %arg1[%get3A, %get3A_2] : memref<1024x768xf32, #tpu.memory_space<vmem>>, vector<1024x768xf32>
    %get3A_4 = arith.constant 0 : index
    %get3A_5 = arith.constant 0 : index
    %get3A_6 = vector.load %arg2[%get3A_4, %get3A_5] : memref<768x64xf32, #tpu.memory_space<vmem>>, vector<768x64xf32>
    %dot_general3A = arith.constant dense<0.000000e+00> : vector<1024x64xf32>
    %dot_general3A_7 = tpu.matmul %get3A_3, %get3A_6, %dot_general3A {dimension_numbers = #tpu.dot_dimension_numbers<[1], [0], [0], [1], [0, 0, 1, 1], [], []>, transpose_lhs_hint = false} : vector<1024x768xf32>, vector<768x64xf32>, vector<1024x64xf32> -> vector<1024x64xf32>
    %get3A_8 = arith.constant 0 : index
    %get3A_9 = arith.constant 0 : index
    %get3A_10 = vector.load %arg3[%get3A_8, %get3A_9] : memref<1x64xf32, #tpu.memory_space<vmem>>, vector<1x64xf32>
    %add3A = vector.broadcast %get3A_10 : vector<1x64xf32> to vector<1024x64xf32>
    %add3A_11 = arith.addf %dot_general3A_7, %add3A : vector<1024x64xf32>
    %reduce_max3A = arith.constant dense<0xFF800000> : vector<1024xf32>
    %reduce_max3A_12 = vector.multi_reduction <maximumf>, %add3A_11, %reduce_max3A [1] : vector<1024x64xf32> to vector<1024xf32>
    %broadcast_in_dim3A = vector.shape_cast %reduce_max3A_12 : vector<1024xf32> to vector<1024x1xf32>
    %iota3A = tpu.iota {dimensions = array<i32: 1>} : vector<1024x64xi32>
    %eq3A_13 = vector.broadcast %broadcast_in_dim3A : vector<1024x1xf32> to vector<1024x64xf32>
    %eq3A_14 = arith.cmpf oeq, %add3A_11, %eq3A_13 : vector<1024x64xf32>
    %jit3A = arith.constant 64 : i32
    %broadcast_in_dim3A_15 = vector.broadcast %jit3A : i32 to vector<1024x64xi32>
    %select_n3A = arith.select %eq3A_14, %iota3A, %broadcast_in_dim3A_15 : vector<1024x64xi1>, vector<1024x64xi32>
    %reduce_min3A = arith.constant dense<2147483647> : vector<1024xi32>
    %reduce_min3A_16 = vector.multi_reduction <minsi>, %select_n3A, %reduce_min3A [1] : vector<1024x64xi32> to vector<1024xi32>
    %broadcast_in_dim3A_17 = vector.shape_cast %reduce_min3A_16 : vector<1024xi32> to vector<1024x1xi32>
    %eq3A_18 = vector.broadcast %broadcast_in_dim3A_17 : vector<1024x1xi32> to vector<1024x64xi32>
    %eq3A_19 = arith.cmpi eq, %iota3A, %eq3A_18 : vector<1024x64xi32>
    %convert_element_type3A_20 = arith.extui %eq3A_19 : vector<1024x64xi1> to vector<1024x64xi32>
    %convert_element_type3A_21 = arith.sitofp %convert_element_type3A_20 : vector<1024x64xi32> to vector<1024x64xf32>
    %iota3A_22 = tpu.iota {dimensions = array<i32: 0>} : vector<1024x1024xi32>
    %iota3A_23 = tpu.iota {dimensions = array<i32: 1>} : vector<1024x1024xi32>
    %ge3A = arith.cmpi sge, %iota3A_22, %iota3A_23 : vector<1024x1024xi32>
    %convert_element_type3A_24 = arith.extui %ge3A : vector<1024x1024xi1> to vector<1024x1024xi32>
    %convert_element_type3A_25 = arith.sitofp %convert_element_type3A_24 : vector<1024x1024xi32> to vector<1024x1024xf32>
    %dot_general3A_26 = arith.constant dense<0.000000e+00> : vector<1024x64xf32>
    %dot_general3A_27 = tpu.matmul %convert_element_type3A_25, %convert_element_type3A_21, %dot_general3A_26 {dimension_numbers = #tpu.dot_dimension_numbers<[1], [0], [0], [1], [0, 0, 1, 1], [], []>, transpose_lhs_hint = false} : vector<1024x1024xf32>, vector<1024x64xf32>, vector<1024x64xf32> -> vector<1024x64xf32>
    %get3A_28 = arith.constant 0 : index
    %get3A_29 = arith.constant 0 : index
    %get3A_30 = vector.load %arg6[%get3A_28, %get3A_29] : memref<1x64xf32, #tpu.memory_space<vmem>>, vector<1x64xf32>
    %sub3A = arith.constant 1.000000e+00 : f32
    %sub3A_31 = vector.broadcast %sub3A : f32 to vector<1024x64xf32>
    %sub3A_32 = arith.subf %dot_general3A_27, %sub3A_31 : vector<1024x64xf32>
    %add3A_33 = vector.broadcast %get3A_30 : vector<1x64xf32> to vector<1024x64xf32>
    %add3A_34 = arith.addf %sub3A_32, %add3A_33 : vector<1024x64xf32>
    %mul3A = arith.mulf %convert_element_type3A_21, %add3A_34 : vector<1024x64xf32>
    %reduce_sum3A = arith.constant dense<0.000000e+00> : vector<1024xf32>
    %reduce_sum3A_35 = vector.multi_reduction <add>, %mul3A, %reduce_sum3A [1] : vector<1024x64xf32> to vector<1024xf32>
    %convert_element_type3A_36 = arith.fptosi %reduce_sum3A_35 : vector<1024xf32> to vector<1024xi32>
    %lt3A = arith.constant 153 : i32
    %lt3A_37 = vector.broadcast %lt3A : i32 to vector<1024xi32>
    %lt3A_38 = arith.cmpi slt, %convert_element_type3A_36, %lt3A_37 : vector<1024xi32>
    %mul3A_39 = arith.constant 160 : i32
    %mul3A_40 = vector.broadcast %mul3A_39 : i32 to vector<1024xi32>
    %mul3A_41 = arith.muli %reduce_min3A_16, %mul3A_40 : vector<1024xi32>
    %add3A_42 = arith.addi %mul3A_41, %convert_element_type3A_36 : vector<1024xi32>
    %jit3A_43 = arith.constant 10240 : i32
    %broadcast_in_dim3A_44 = vector.broadcast %jit3A_43 : i32 to vector<1024xi32>
    %select_n3A_45 = arith.select %lt3A_38, %add3A_42, %broadcast_in_dim3A_44 : vector<1024xi1>, vector<1024xi32>
    %swap3A = arith.constant 0 : index
    %swap3A_46 = arith.constant 0 : index
    %swap3A_47 = arith.constant 0 : index
    %swap3A_48 = vector.load %arg4[%swap3A, %swap3A_46, %swap3A_47] : memref<1x1x1024xi32, #tpu.memory_space<vmem>>, vector<1x1x1024xi32>
    %swap3A_49 = vector.shape_cast %swap3A_48 : vector<1x1x1024xi32> to vector<1024xi32>
    %swap3A_50 = vector.shape_cast %select_n3A_45 : vector<1024xi32> to vector<1x1x1024xi32>
    tpu.vector_store %arg4[%swap3A, %swap3A_46, %swap3A_47], %swap3A_50 {strides = array<i32>} : memref<1x1x1024xi32, #tpu.memory_space<vmem>>, vector<1x1x1024xi32>,
    %reduce_sum3A_51 = arith.constant dense<0.000000e+00> : vector<64xf32>
    %reduce_sum3A_52 = vector.multi_reduction <add>, %convert_element_type3A_21, %reduce_sum3A_51 [0] : vector<1024x64xf32> to vector<64xf32>
    %broadcast_in_dim3A_53 = vector.shape_cast %reduce_sum3A_52 : vector<64xf32> to vector<1x64xf32>
    %add3A_54 = arith.addf %get3A_30, %broadcast_in_dim3A_53 : vector<1x64xf32>
    %swap3A_55 = arith.constant 0 : index
    %swap3A_56 = arith.constant 0 : index
    %swap3A_57 = vector.load %arg6[%swap3A_55, %swap3A_56] : memref<1x64xf32, #tpu.memory_space<vmem>>, vector<1x64xf32>
    tpu.vector_store %arg6[%swap3A_55, %swap3A_56], %add3A_54 {strides = array<i32>} : memref<1x64xf32, #tpu.memory_space<vmem>>, vector<1x64xf32>,
    %eq3A_58 = arith.constant 7 : i32
    %eq3A_59 = arith.cmpi eq, %arg0, %eq3A_58 : i32
    %convert_element_type3A_60 = arith.extui %eq3A_59 : i1 to i32
    %cond3A_61 = arith.constant 0 : i32
    %cond3A_62 = arith.cmpi ne, %convert_element_type3A_60, %cond3A_61 : i32
    scf.if %cond3A_62 {
      %reduce_sum3A_63 = vector.shape_cast %add3A_54 : vector<1x64xf32> to vector<1x1x64xf32>
      %reduce_sum3A_64 = arith.constant dense<0.000000e+00> : vector<1xf32>
      %reduce_sum3A_65 = vector.multi_reduction <add>, %reduce_sum3A_63, %reduce_sum3A_64 [1, 2] : vector<1x1x64xf32> to vector<1xf32>
      %reduce_sum3A_66 = vector.shape_cast %reduce_sum3A_65 : vector<1xf32> to vector<1x1x1xf32>
      %reduce_sum3A_67 = vector.extract %reduce_sum3A_66[0, 0, 0] : f32 from vector<1x1x1xf32>
      %div3A = arith.constant 6.400000e+01 : f32
      %div3A_68 = arith.divf %reduce_sum3A_67, %div3A : f32
      %sub3A_69 = vector.broadcast %div3A_68 : f32 to vector<1x64xf32>
      %sub3A_70 = arith.subf %add3A_54, %sub3A_69 : vector<1x64xf32>
      %integer_pow3A = arith.mulf %sub3A_70, %sub3A_70 : vector<1x64xf32>
      %reduce_sum3A_71 = vector.shape_cast %integer_pow3A : vector<1x64xf32> to vector<1x1x64xf32>
      %reduce_sum3A_72 = arith.constant dense<0.000000e+00> : vector<1xf32>
      %reduce_sum3A_73 = vector.multi_reduction <add>, %reduce_sum3A_71, %reduce_sum3A_72 [1, 2] : vector<1x1x64xf32> to vector<1xf32>
      %reduce_sum3A_74 = vector.shape_cast %reduce_sum3A_73 : vector<1xf32> to vector<1x1x1xf32>
      %reduce_sum3A_75 = vector.extract %reduce_sum3A_74[0, 0, 0] : f32 from vector<1x1x1xf32>
      %div3A_76 = arith.constant 6.400000e+01 : f32
      %div3A_77 = arith.divf %reduce_sum3A_75, %div3A_76 : f32
      %swap3A_78 = arith.constant 0 : index
      %swap3A_79 = arith.constant 0 : index
      %swap3A_80 = vector.load %arg5[%swap3A_78, %swap3A_79] : memref<8x128xf32, #tpu.memory_space<vmem>>, vector<1x64xf32>
      tpu.vector_store %arg5[%swap3A_78, %swap3A_79], %add3A_54 {strides = array<i32>} : memref<8x128xf32, #tpu.memory_space<vmem>>, vector<1x64xf32>,
      %reshape3A = vector.broadcast %div3A_77 : f32 to vector<1x1xf32>
      %swap3A_81 = arith.constant 1 : index
      %swap3A_82 = arith.constant 0 : index
      %swap3A_83 = vector.load %arg5[%swap3A_81, %swap3A_82] : memref<8x128xf32, #tpu.memory_space<vmem>>, vector<1x1xf32>
      tpu.vector_store %arg5[%swap3A_81, %swap3A_82], %reshape3A {strides = array<i32>} : memref<8x128xf32, #tpu.memory_space<vmem>>, vector<1x1xf32>,
    } else {
    }
    return
  }
  func.func @transform_0(%arg0: i32) -> (i32, i32) {
    %c0_i32 = arith.constant 0 : i32
    %c0_i32_0 = arith.constant 0 : i32
    return %arg0, %c0_i32 : i32, i32
  }
  func.func @transform_1(%arg0: i32) -> (i32, i32) {
    %c0_i32 = arith.constant 0 : i32
    %c0_i32_0 = arith.constant 0 : i32
    %c0_i32_1 = arith.constant 0 : i32
    return %c0_i32, %c0_i32_0 : i32, i32
  }
  func.func @transform_2(%arg0: i32) -> (i32, i32) {
    %c0_i32 = arith.constant 0 : i32
    %c0_i32_0 = arith.constant 0 : i32
    %c0_i32_1 = arith.constant 0 : i32
    return %c0_i32, %c0_i32_0 : i32, i32
  }
  func.func @transform_3(%arg0: i32) -> (i32, i32, i32) {
    %c0_i32 = arith.constant 0 : i32
    %c0_i32_0 = arith.constant 0 : i32
    %c0_i32_1 = arith.constant 0 : i32
    return %arg0, %c0_i32, %c0_i32_0 : i32, i32, i32
  }
  func.func @transform_4(%arg0: i32) -> (i32, i32) {
    %c0_i32 = arith.constant 0 : i32
    %c0_i32_0 = arith.constant 0 : i32
    %c0_i32_1 = arith.constant 0 : i32
    return %c0_i32, %c0_i32_0 : i32, i32
  }
}

module attributes {stable_mosaic.version = 14 : i64} {
  func.func @_expert_body(%arg0: i32, %arg1: memref<65xi32, #tpu.memory_space<smem>>, %arg2: memref<160x768xf32, #tpu.memory_space<vmem>>, %arg3: memref<1x768x768xf32, #tpu.memory_space<vmem>>, %arg4: memref<1x1x768xf32, #tpu.memory_space<vmem>>, %arg5: memref<1x768x768xf32, #tpu.memory_space<vmem>>, %arg6: memref<1x1x768xf32, #tpu.memory_space<vmem>>, %arg7: memref<160x768xf32, #tpu.memory_space<vmem>>) attributes {dimension_semantics = [#tpu.dimension_semantics<arbitrary>], iteration_bounds = array<i64: 65>, scalar_prefetch = 0 : i64, scratch_operands = 0 : i64, tpu.core_type = #tpu.core_type<tc>, window_params = [{transform_indices = @transform_0, window_bounds = array<i64: 65>}, {transform_indices = @transform_1, window_bounds = array<i64: 160, 768>}, {transform_indices = @transform_2, window_bounds = array<i64: 1, 768, 768>}, {transform_indices = @transform_3, window_bounds = array<i64: 1, 1, 768>}, {transform_indices = @transform_4, window_bounds = array<i64: 1, 768, 768>}, {transform_indices = @transform_5, window_bounds = array<i64: 1, 1, 768>}, {transform_indices = @transform_6, window_bounds = array<i64: 160, 768>}]} {
    %get3A = arith.index_cast %arg0 : i32 to index
    %get3A_0 = memref.load %arg1[%get3A] : memref<65xi32, #tpu.memory_space<smem>>
    %get3A_1 = arith.constant 0 : index
    %get3A_2 = arith.constant 0 : index
    %get3A_3 = vector.load %arg2[%get3A_1, %get3A_2] : memref<160x768xf32, #tpu.memory_space<vmem>>, vector<160x768xf32>
    %get3A_4 = arith.constant 0 : index
    %get3A_5 = arith.constant 0 : index
    %get3A_6 = arith.constant 0 : index
    %get3A_7 = vector.load %arg3[%get3A_4, %get3A_5, %get3A_6] : memref<1x768x768xf32, #tpu.memory_space<vmem>>, vector<1x768x768xf32>
    %get3A_8 = vector.shape_cast %get3A_7 : vector<1x768x768xf32> to vector<768x768xf32>
    %dot_general3A = arith.constant dense<0.000000e+00> : vector<160x768xf32>
    %dot_general3A_9 = tpu.matmul %get3A_3, %get3A_8, %dot_general3A {dimension_numbers = #tpu.dot_dimension_numbers<[1], [0], [0], [1], [0, 0, 1, 1], [], []>, transpose_lhs_hint = false} : vector<160x768xf32>, vector<768x768xf32>, vector<160x768xf32> -> vector<160x768xf32>
    %get3A_10 = arith.constant 0 : index
    %get3A_11 = arith.constant 0 : index
    %get3A_12 = arith.constant 0 : index
    %get3A_13 = vector.load %arg4[%get3A_10, %get3A_11, %get3A_12] : memref<1x1x768xf32, #tpu.memory_space<vmem>>, vector<1x1x768xf32>
    %get3A_14 = vector.shape_cast %get3A_13 : vector<1x1x768xf32> to vector<1x768xf32>
    %add3A = vector.broadcast %get3A_14 : vector<1x768xf32> to vector<160x768xf32>
    %add3A_15 = arith.addf %dot_general3A_9, %add3A : vector<160x768xf32>
    %max3A = arith.constant 0.000000e+00 : f32
    %max3A_16 = vector.broadcast %max3A : f32 to vector<160x768xf32>
    %max3A_17 = arith.maximumf %add3A_15, %max3A_16 : vector<160x768xf32>
    %get3A_18 = arith.constant 0 : index
    %get3A_19 = arith.constant 0 : index
    %get3A_20 = arith.constant 0 : index
    %get3A_21 = vector.load %arg5[%get3A_18, %get3A_19, %get3A_20] : memref<1x768x768xf32, #tpu.memory_space<vmem>>, vector<1x768x768xf32>
    %get3A_22 = vector.shape_cast %get3A_21 : vector<1x768x768xf32> to vector<768x768xf32>
    %dot_general3A_23 = arith.constant dense<0.000000e+00> : vector<160x768xf32>
    %dot_general3A_24 = tpu.matmul %max3A_17, %get3A_22, %dot_general3A_23 {dimension_numbers = #tpu.dot_dimension_numbers<[1], [0], [0], [1], [0, 0, 1, 1], [], []>, transpose_lhs_hint = false} : vector<160x768xf32>, vector<768x768xf32>, vector<160x768xf32> -> vector<160x768xf32>
    %get3A_25 = arith.constant 0 : index
    %get3A_26 = arith.constant 0 : index
    %get3A_27 = arith.constant 0 : index
    %get3A_28 = vector.load %arg6[%get3A_25, %get3A_26, %get3A_27] : memref<1x1x768xf32, #tpu.memory_space<vmem>>, vector<1x1x768xf32>
    %get3A_29 = vector.shape_cast %get3A_28 : vector<1x1x768xf32> to vector<1x768xf32>
    %add3A_30 = vector.broadcast %get3A_29 : vector<1x768xf32> to vector<160x768xf32>
    %add3A_31 = arith.addf %dot_general3A_24, %add3A_30 : vector<160x768xf32>
    %iota3A = tpu.iota {dimensions = array<i32: 0>} : vector<160x1xi32>
    %lt3A = vector.broadcast %get3A_0 : i32 to vector<160x1xi32>
    %lt3A_32 = arith.cmpi slt, %iota3A, %lt3A : vector<160x1xi32>
    %jit3A = arith.constant 0.000000e+00 : f32
    %broadcast_in_dim3A = vector.shape_cast %lt3A_32 : vector<160x1xi1> to vector<160x1xi1>
    %broadcast_in_dim3A_33 = vector.broadcast %broadcast_in_dim3A : vector<160x1xi1> to vector<160x768xi1>
    %broadcast_in_dim3A_34 = vector.broadcast %jit3A : f32 to vector<160x768xf32>
    %select_n3A = arith.select %broadcast_in_dim3A_33, %add3A_31, %broadcast_in_dim3A_34 : vector<160x768xi1>, vector<160x768xf32>
    %swap3A = arith.constant 0 : index
    %swap3A_35 = arith.constant 0 : index
    %swap3A_36 = vector.load %arg7[%swap3A, %swap3A_35] : memref<160x768xf32, #tpu.memory_space<vmem>>, vector<160x768xf32>
    tpu.vector_store %arg7[%swap3A, %swap3A_35], %select_n3A {strides = array<i32>} : memref<160x768xf32, #tpu.memory_space<vmem>>, vector<160x768xf32>,
    return
  }
  func.func @transform_0(%arg0: i32) -> i32 {
    %c0_i32 = arith.constant 0 : i32
    %c0_i32_0 = arith.constant 0 : i32
    return %c0_i32 : i32
  }
  func.func @transform_1(%arg0: i32) -> (i32, i32) {
    %c0_i32 = arith.constant 0 : i32
    %c0_i32_0 = arith.constant 0 : i32
    return %arg0, %c0_i32 : i32, i32
  }
  func.func @transform_2(%arg0: i32) -> (i32, i32, i32) {
    %min3A = arith.constant 63 : i32
    %min3A_0 = arith.minsi %arg0, %min3A : i32
    %c0_i32 = arith.constant 0 : i32
    %c0_i32_1 = arith.constant 0 : i32
    %c0_i32_2 = arith.constant 0 : i32
    return %min3A_0, %c0_i32, %c0_i32_1 : i32, i32, i32
  }
  func.func @transform_3(%arg0: i32) -> (i32, i32, i32) {
    %min3A = arith.constant 63 : i32
    %min3A_0 = arith.minsi %arg0, %min3A : i32
    %c0_i32 = arith.constant 0 : i32
    %c0_i32_1 = arith.constant 0 : i32
    %c0_i32_2 = arith.constant 0 : i32
    return %min3A_0, %c0_i32, %c0_i32_1 : i32, i32, i32
  }
  func.func @transform_4(%arg0: i32) -> (i32, i32, i32) {
    %min3A = arith.constant 63 : i32
    %min3A_0 = arith.minsi %arg0, %min3A : i32
    %c0_i32 = arith.constant 0 : i32
    %c0_i32_1 = arith.constant 0 : i32
    %c0_i32_2 = arith.constant 0 : i32
    return %min3A_0, %c0_i32, %c0_i32_1 : i32, i32, i32
  }
  func.func @transform_5(%arg0: i32) -> (i32, i32, i32) {
    %min3A = arith.constant 63 : i32
    %min3A_0 = arith.minsi %arg0, %min3A : i32
    %c0_i32 = arith.constant 0 : i32
    %c0_i32_1 = arith.constant 0 : i32
    %c0_i32_2 = arith.constant 0 : i32
    return %min3A_0, %c0_i32, %c0_i32_1 : i32, i32, i32
  }
  func.func @transform_6(%arg0: i32) -> (i32, i32) {
    %c0_i32 = arith.constant 0 : i32
    %c0_i32_0 = arith.constant 0 : i32
    return %arg0, %c0_i32 : i32, i32
  }
}

</mosaic_0001>

<sc_bundles>
// kernel: kernel.6.cloned.1.call-start
scs
__scs_entry_jumppad:
0x0: {  	(pc) =	sbr.rel $0x88, $3  }
0x1: {  	(tag) =	ssettag $0x0;
	lr =	simm.s32 $0x1  }
0x2: {  	[smem:$0x3F99] =	sst lr;
	_ =	strace $0xD0000000  }
0x3: {  	_ = 	snop  }
0x4: {  	_ = 	snop  }
0x5: {  	_ = 	snop  }
0x6: {  	_ = 	snop  }
0x7: {  	_ = 	snop  }
__scs_overlays_trampoline_lowered:
0x8: {  	[smem:$0x3FA8] =	sst s0  }
0x9: {  	[smem:$0x3FA9] =	sst s1  }
0xa: {  	[smem:$0x3FAA] =	sst s2  }
0xb: {  	[smem:$0x3FAB] =	sst s3  }
0xc: {  	[smem:$0x3FAC] =	sst s4  }
0xd: {  	[smem:$0x3FAD] =	sst s5  }
0xe: {  	[smem:$0x3FAE] =	sst s6  }
0xf: {  	[smem:$0x3FAF] =	sst s7  }
0x10: {  	[smem:$0x3FB0] =	sst s8  }
0x11: {  	[smem:$0x3FB1] =	sst s9;
	s0 =	simm.s32 @!p0 $0x0  }
0x12: {  	s1 =	sld [smem:$0x3F97];
	s0 =	simm.s32 @p0 $0x1  }
0x13: {  	[smem:$0x3FB2] =	sst s0;
	s0 =	simm.s32 @!p1 $0x0  }
0x14: {  	s2 =	sld [smem:$0x3F96];
	s0 =	simm.s32 @p1 $0x1  }
0x15: {  	[smem:$0x3FB3] =	sst s0;
	s0 =	simm.s32 @!p2 $0x0  }
0x16: {  	s3 =	sld [smem:$0x3FDB];
	s0 =	simm.s32 @p2 $0x1  }
0x17: {  	s4 =	simm.s32 $0x1BF5;
	[smem:$0x3FB5] =	sst s0  }
0x18: {  	s0 =	sld [smem:$0x3F98];
	_ =	swait.ge [sflag:s4], $0x0  }
0x19: {  	s7 =	sld [smem:$0x3F99]  }
0x1a: {  	s8 =	sadd.s32 $0xFFFFE003, lr  }
0x1b: {  	s9 =	sadd.s32 $0xFFFFFEF7, lr;
	s5 =	simm.s32 $0xFFFFFFFF;
	p2 =	slt.u32 s8, $0xFFFFF086  }
0x1c: {  	p1 =	slt.u32 s9, $0xF7A;
	s5 =	simm.s32 @!p2 $0x0  }
0x1d: {  	s5 =	simm.s32 @p1 $0x1;
	p0 =	seq.s32 s7, s2  }
0x1e: {  	s7 =	smul.u32 @!p0 $0xF7A, s2;
	p2 =	seq.s32 @!p0 s5, $0x0  }
0x1f: {  	s9 =	smul.u32 $0xF7A, s1;
	s8 =	simm.s32 @!p0 $0x1BF5;
	p2 =	por !p2, p0  }
0x20: {  	[sflag:s8] =	ssyncset.s32 @!p0 $0xFFFFF086;
	s6 =	sadd.s32 @!p0 s3, s7;
	s7 =	simm.s32 @!p0 $0x108  }
0x21: {  	s3 =	sadd.s32 s3, s9;
	s6 =	sadd.s32 @!p0 $0x88, s6;
	s7 =	simm.s32 @p2 $0x1082  }
0x22: {  	[simem:s7], [sflag:s8] =	dma.local @!p0 [hbm:s6], $0xF7A  }
0x23: {  	s9 =	sor.u32 $0xD0000000, s2;
	s6 =	simm.s32 $0x108;
	_ =	swait.ge @!p0 [sflag:s8], $0x0  }
0x24: {  	s3 =	sadd.s32 $0x88, s3;
	s6 =	simm.s32 @!p1 $0x1082;
	[sflag:s4] =	ssyncset.s32 $0xFFFFF086  }
0x25: {  	[simem:s6], [sflag:s4] =	dma.local [hbm:s3], $0xF7A  }
0x26: {  	[smem:$0x3F99] =	sst s1;
	(tag) =	ssettag s2;
	_ =	strace s9  }
0x27: {  	s1 =	sld [smem:$0x3FA9]  }
0x28: {  	s2 =	sld [smem:$0x3FAA]  }
0x29: {  	s4 =	sld [smem:$0x3FAC]  }
0x2a: {  	p0 =	seq.s32 s5, $0x0;
	s5 =	sld [smem:$0x3FAD]  }
0x2b: {  	s6 =	sld [smem:$0x3FAE]  }
0x2c: {  	s7 =	sld [smem:$0x3FAF]  }
0x2d: {  	s3 =	simm.s32 $0x108;
	s8 =	sld [smem:$0x3FB0]  }
0x2e: {  	s3 =	simm.s32 @!p0 $0x1082;
	s9 =	sld [smem:$0x3FB1]  }
0x2f: {  	lr =	sadd.s32 s0, s3;
	s0 =	sld [smem:$0x3FA8]  }
0x30: {  	s3 =	sld [smem:$0x3FAB]  }
0x31: {  	[smem:$0x3FB4] =	sst s10  }
0x32: {  	s10 =	sld [smem:$0x3FB2];
	_ =	sdelay $0x3  }
0x33: {  	p0 =	seq.s32 s10, $0x1;
	s10 =	sld [smem:$0x3FB4];
	_ =	sdelay $0x3  }
0x34: {  	[smem:$0x3FB4] =	sst s10  }
0x35: {  	s10 =	sld [smem:$0x3FB3];
	_ =	sdelay $0x3  }
0x36: {  	p1 =	seq.s32 s10, $0x1;
	s10 =	sld [smem:$0x3FB4];
	_ =	sdelay $0x3  }
0x37: {  	[smem:$0x3FB4] =	sst s10  }
0x38: {  	s10 =	sld [smem:$0x3FB5]  }
0x39: {  	_ = 	snop;
	(pc) =	sbr.ind lr, $3  }
0x3a: {  	_ = 	snop  }
0x3b: {  	_ = 	snop  }
0x3c: {  	p2 =	seq.s32 s10, $0x1;
	s10 =	sld [smem:$0x3FB4]  }
0x3d: {  	_ =	shalt  }
0x3e: {  	_ =	shalt  }
0x3f: {  	_ =	shalt  }
0x40: {  	_ =	shalt  }
0x41: {  	_ =	shalt  }
0x42: {  	_ =	shalt  }
0x43: {  	_ =	shalt  }
0x44: {  	_ =	shalt  }
0x45: {  	_ =	shalt  }
0x46: {  	_ =	shalt  }
0x47: {  	_ =	shalt  }
0x48: {  	_ =	shalt  }
0x49: {  	_ =	shalt  }
0x4a: {  	_ =	shalt  }
0x4b: {  	_ =	shalt  }
0x4c: {  	_ =	shalt  }
0x4d: {  	_ =	shalt  }
0x4e: {  	_ =	shalt  }
0x4f: {  	_ =	shalt  }
0x50: {  	_ =	shalt  }
0x51: {  	_ =	shalt  }
0x52: {  	_ =	shalt  }
0x53: {  	_ =	shalt  }
0x54: {  	_ =	shalt  }
0x55: {  	_ =	shalt  }
0x56: {  	_ =	shalt  }
0x57: {  	_ =	shalt  }
0x58: {  	_ =	shalt  }
0x59: {  	_ =	shalt  }
0x5a: {  	_ =	shalt  }
0x5b: {  	_ =	shalt  }
0x5c: {  	_ =	shalt  }
0x5d: {  	_ =	shalt  }
0x5e: {  	_ =	shalt  }
0x5f: {  	_ =	shalt  }
0x60: {  	_ =	shalt  }
0x61: {  	_ =	shalt  }
0x62: {  	_ =	shalt  }
0x63: {  	_ =	shalt  }
0x64: {  	_ =	shalt  }
0x65: {  	_ =	shalt  }
0x66: {  	_ =	shalt  }
0x67: {  	_ =	shalt  }
0x68: {  	_ =	shalt  }
0x69: {  	_ =	shalt  }
0x6a: {  	_ =	shalt  }
0x6b: {  	_ =	shalt  }
0x6c: {  	_ =	shalt  }
0x6d: {  	_ =	shalt  }
0x6e: {  	_ =	shalt  }
0x6f: {  	_ =	shalt  }
0x70: {  	_ =	shalt  }
0x71: {  	_ =	shalt  }
0x72: {  	_ =	shalt  }
0x73: {  	_ =	shalt  }
0x74: {  	_ =	shalt  }
0x75: {  	_ =	shalt  }
0x76: {  	_ =	shalt  }
0x77: {  	_ =	shalt  }
0x78: {  	_ =	shalt  }
0x79: {  	_ =	shalt  }
0x7a: {  	_ =	shalt  }
0x7b: {  	_ =	shalt  }
0x7c: {  	_ =	shalt  }
0x7d: {  	_ =	shalt  }
0x7e: {  	_ =	shalt  }
0x7f: {  	_ =	shalt  }
0x80: {  	_ =	shalt  }
0x81: {  	_ =	shalt  }
0x82: {  	_ =	shalt  }
0x83: {  	_ =	shalt  }
0x84: {  	_ =	shalt  }
0x85: {  	_ =	shalt  }
0x86: {  	_ =	shalt  }
0x87: {  	_ =	shalt  }
.Lfunc_end0:
.L_simem_size_0:
called_computation_lowered:
.L_overlay_start_0:
0x88: {  	s2 =	sld [smem:$0x3FD9]  }
0x89: {  	s3 =	sld [smem:$0x3FFE];
	_ =	sdelay $0x1  }
0x8a: {  	s1 =	srdreg.scid  }
0x8b: {  	s0 =	sand.u32 $0x1, s1  }
0x8c: {  	s17 =	sshll.u32 s0, $0xA;
	s2 =	sadd.s32 s3, s2  }
0x8d: {  	s2 =	sadd.s32 s2, s17  }
0x8e: {  	[smem:$0x3FC0] =	sst s2  }
0x8f: {  	_ = 	snop  }
0x90: {  	s2 =	sld [smem:$0x3FC9];
	(tm) =	ssettm $0x1  }
0x91: {  	s18 =	sld [smem:$0x3FFB];
	_ =	sdelay $0x3  }
0x92: {  	_ =	strace s18  }
0x93: {  	s3 =	sld [smem:$0x3FFC];
	_ =	sdelay $0x3  }
0x94: {  	_ =	strace s3  }
0x95: {  	s3 =	sld [smem:$0x3FFD];
	_ =	sdelay $0x3  }
0x96: {  	_ =	strace s3  }
0x97: {  	_ =	strace $0x8FFFFFFF  }
0x98: {  	s19 =	sld [smem:$0x3FDB];
	_ =	sdelay $0x1  }
0x99: {  	s4 =	simm.s32 $_scs_section_size  }
0x9a: {  	s5 =	simm.s32 $_size__tile_overlayer_lowered;
	s6 =	simm.s32 $_tile_overlayer_lowered  }
0x9b: {  	s22 =	simm.s32 $0x1BFF;
	s21 =	sshll.u32 s6, $0x1;
	s3 =	sadd.s32 s4, s19  }
0x9c: {  	s7 =	simm.s32 $0x0;
	s20 =	sshll.u32 s5, $0x1;
	s5 =	sadd.s32 s21, s3  }
0x9d: {  	[timem:s7], [sflag:s22] =	dma.local [hbm:s5], s20  }
0x9e: {  	_ =	swait.ge [sflag:s22], s20  }
0x9f: {  	s4 =	ssub.s32 $0x0, s20;
	[sflag:s22] =	ssyncset.done $0x0  }
0xa0: {  	[sflag:s22] =	ssyncadd.s32 s4;
	_ =	sdelay $0x1  }
0xa1: {  	s23 =	simm.s32 $0x1B8B  }
0xa2: {  	_ =	swait.ge [sflag:s23], $0x1  }
0xa3: {  	[sflag:s23] =	ssyncset.done $0x0  }
0xa4: {  	s25 =	simm.s32 $0x1B8E;
	s24 =	sld [smem:$0x3FFE];
	[sflag:s23] =	ssyncadd.s32 $0xFFFFFFFF  }
0xa5: {  	s26 =	simm.s32 $execute0_lowered;
	[smem:$0x3FD2] =	sst s25  }
0xa6: {  	s5 =	sshll.u32 s26, $0x1;
	_ =	strace $0x80000046;
	[dreg:$0x1] =	wrdreg $0xFFFFFFFF  }
0xa7: {  	s28 =	simm.s32 $_size_execute0_lowered;
	s3 =	sadd.s32 s3, s5;
	[dreg:$0x0] =	wrdreg $0x0  }
0xa8: {  	s5 =	sshll.u32 s28, $0x1;
	[dreg:$0x2] =	wrdreg s3  }
0xa9: {  	[dreg:$0x3] =	wrdreg s5  }
0xaa: {  	[dreg:$0x4] =	wrdreg $0xC0  }
0xab: {  	_ =	task [dreg:s7], $0x5FFFF  }
0xac: {  	[dreg:$0x1] =	wrdreg $0xFFFFFFFF  }
0xad: {  	[dreg:$0x0] =	wrdreg $0x60  }
0xae: {  	[dreg:$0x2] =	wrdreg s2  }
0xaf: {  	[dreg:$0x3] =	wrdreg s24  }
0xb0: {  	[dreg:$0x4] =	wrdreg $0x9  }
0xb1: {  	_ =	task.clear_ibuf [dreg:s7], $0x5FFFF;
	_ =	strace $0x90000046  }
0xb2: {  	s29 =	simm.s32 $0x9;
	_ =	strace $0x80000048  }
0xb3: {  	_ =	swait.ge [sflag:s29], $0x1  }
0xb4: {  	[sflag:s29] =	ssyncadd.s32 $0xFFFFFFFF  }
0xb5: {  	_ =	strace $0x90000048  }
0xb6: {  	_ =	sfence  }
0xb7: {  	s30 =	sld [smem:$0x0];
	_ =	sdelay $0x2  }
0xb8: {  	s31 =	sshll.u32 s1, $0xD;
	s1 =	sshrl.u32 s1, $0x2  }
0xb9: {  	s3 =	sand.u32 $0x4000, s31;
	s1 =	sadd.s32 s1, s30  }
0xba: {  	s0 =	sor.u32 s3, s0;
	s1 =	sshll.u32 s1, $0x11  }
0xbb: {  	s0 =	sor.u32 s1, s0  }
0xbc: {  	s0 =	sadd.s32 $0x8F2B, s0  }
0xbd: {  	[sflag:s0] =	ssyncadd.remote.s32 $0x1  }
0xbe: {  	_ =	sfence.sel $0xFFFF  }
0xbf: {  	[dreg:$0x0] =	wrdreg $0xFFFFFFFF;
	(pc) =	sbr.abs _section_cstart, $3  }
0xc0: {  	[dreg:$0x1] =	wrdreg $0xFFFFFFFF  }
0xc1: {  	_ =	task.clear_ibuf [dreg:s7], $0x2FFFF;
	_ =	strace $0x9FFFFFFF  }
0xc2: {  	(tm) =	ssettm $0x7FFFFFFF  }
0xc3: {  	_ =	shalt  }
tec
execute0_lowered:
.L_overlay_start_1:
0x0: {  	(tag) =	ssettag $0x1  }
0x1: {  	s0 =	rddreg [dreg:$0x0]  }
0x2: {  	s1 =	rddreg [dreg:$0x1]  }
0x3: {  	s3 =	srdreg.scid;
	s2 =	simm.s32 $0x0;
	s5 =	stileid.u32  }
0x4: {  	s10 =	simm.s32 $0x880;
	s11 =	simm.s32 $0x1080;
	s12 =	simm.s32 $0x1880  }
0x5: {  	s13 =	simm.s32 $0x2080;
	s14 =	simm.s32 $0x2880;
	s15 =	simm.s32 $0x3080  }
0x6: {  	s16 =	simm.s32 $0x3880;
	s17 =	simm.s32 $0x4080;
	s18 =	simm.s32 $0x4880  }
0x7: {  	s19 =	simm.s32 $0x5080;
	s20 =	simm.s32 $0x5880;
	s21 =	simm.s32 $0x6080  }
0x8: {  	s22 =	simm.s32 $0x6880;
	s28 =	simm.s32 $0x9080;
	s29 =	simm.s32 $0x9880  }
0x9: {  	s30 =	simm.s32 $0xA080;
	s31 =	simm.s32 $0xA880;
	s4 =	sand.u32 $0x1, s3  }
0xa: {  	[smem:$0x7FF] =	sst s2;
	s23 =	sshll.u32 s5, $0x6;
	s6 =	sadd.s32 $0x1400, s1  }
0xb: {  	s3 =	sadd.s32 $0x1A00, s1;
	s24 =	sshll.u32 s4, $0x5;
	s4 =	ssub.s32 $0x2, s4  }
0xc: {  	_ =	strace $0x80000047;
	s5 =	sor.u32 s24, s23;
	s9 =	sshrl.u32 s4, $0x1  }
0xd: {  	s23 =	simm.s32 $0x7080;
	s24 =	simm.s32 $0x7880;
	s7 =	smul.u32 $0x300, s5  }
0xe: {  	s8 =	sadd.s32 s6, s5;
	s5 =	sor.u32 $0x10, s5;
	s26 =	ssub.s32 s4, s9  }
0xf: {  	s4 =	sadd.s32 $0x1B00, s1;
	[dreg:$0x3] =	wrdreg s8;
	s25 =	smul.u32 $0x300, s5  }
0x10: {  	s5 =	sadd.s32 s6, s5;
	s6 =	smax.u32 s26, $0x1;
	s26 =	simm.s32 $0x8880  }
0x11: {  	v2 =	vlaneseq.u32;
	s7 =	sadd.s32 s0, s7;
	[dreg:$0x5] =	wrdreg s5;
	s5 =	sadd.s32 $0x1C00, s1  }
0x12: {  	vm0 =	vmmov $0xffff;
	v1 =	vshrl.u32 v2, $0x3;
	s1 =	simm.s32 $0x1;
	[dreg:$0x4] =	wrdreg s7;
	s0 =	sadd.s32 s0, s25  }
0x13: {  	v0 =	vand.u32 $0x7, v2;
	v2 =	vor.u32 $0x8, v2;
	v1 =	vmul.u32 $0x8, v1;
	s7 =	simm.s32 $0x2;
	s25 =	simm.s32 $0x8080;
	[dreg:$0x6] =	wrdreg s0  }
.LBB2_1:
0x14: {  	s9 =	rddreg [dreg:$0x3]  }
0x15: {  	[tilespmem:s2], [sflag:$0x2] =	stream.linear.gather [hbm4b:s9+s2], $0x80, $0x38;
	[tilespmem:$0x18080] =	vst v63  }
0x16: {  	_ =	swait.ge [sflag:s7], $0x80  }
0x17: {  	[sflag:s7] =	ssyncset.done $0x0  }
0x18: {  	s0 =	simm.s32 $0x80;
	s8 =	rddreg [dreg:$0x4];
	[sflag:s7] =	ssyncadd.s32 $0xFFFFFF80  }
0x19: {  	[tilespmem:s0], [sflag:$0x2] =	stream.linear.gather [hbm4b:s8+s2], $0x18000, $0x38;
	[tilespmem:$0x18080] =	vst v63  }
0x1a: {  	_ =	swait.ge [sflag:s7], $0x18000  }
0x1b: {  	[sflag:s7] =	ssyncset.done $0x0  }
0x1c: {  	[sflag:s7] =	ssyncadd.s32 $0xFFFE8000  }
0x1d: {  	v3 =	vld [tilespmem:$0x0];
	_ =	sdelay $0x4  }
0x1e: {  	v4 =	vshrl.u32 v3, $0x3  }
0x1f: {  	v4 =	vmul.u32 $0x30, v4  }
0x20: {  	v3 =	vand.u32 $0x7, v3  }
0x21: {  	v3 =	vor.u32 v3, v4  }
0x22: {  	v4 =	vperm.xlane v3, v0;
	_ =	sdelay $0x1  }
0x23: {  	v4 =	vadd.s32 v1, v4;
	_ =	sdelay $0x3  }
0x24: {  	v3 =	vperm.xlane v3, v2  }
0x25: {  	[hbm4b:s3+s2] =	stream.indirect_vreg.scatter [tilespmem:s0], [sflag:$0x1], $0x80, v4, vm0, $0xb8;
	[tilespmem:$0x18080] =	vst v63  }
0x26: {  	v3 =	vadd.s32 v1, v3  }
0x27: {  	[hbm4b:s4+s2] =	stream.indirect_vreg.scatter [tilespmem:s10], [sflag:$0x1], $0x80, v4, vm0, $0xb8;
	[tilespmem:$0x18080] =	vst v63  }
0x28: {  	_ = 	snop  }
0x29: {  	[hbm4b:s5+s2] =	stream.indirect_vreg.scatter [tilespmem:s11], [sflag:$0x1], $0x80, v4, vm0, $0xb8;
	[tilespmem:$0x18080] =	vst v63  }
0x2a: {  	_ = 	snop  }
0x2b: {  	[hbm4b:s3+s2] =	stream.indirect_vreg.scatter [tilespmem:s12], [sflag:$0x1], $0x80, v3, vm0, $0xb8;
	[tilespmem:$0x18080] =	vst v63  }
0x2c: {  	_ = 	snop  }
0x2d: {  	[hbm4b:s4+s2] =	stream.indirect_vreg.scatter [tilespmem:s13], [sflag:$0x1], $0x80, v3, vm0, $0xb8;
	[tilespmem:$0x18080] =	vst v63  }
0x2e: {  	_ = 	snop  }
0x2f: {  	[hbm4b:s5+s2] =	stream.indirect_vreg.scatter [tilespmem:s14], [sflag:$0x1], $0x80, v3, vm0, $0xb8;
	[tilespmem:$0x18080] =	vst v63  }
0x30: {  	v3 =	vld [tilespmem:$0x10];
	_ =	sdelay $0x4  }
0x31: {  	v49 =	vshrl.u32 v3, $0x3  }
0x32: {  	v4 =	vmul.u32 $0x30, v49  }
0x33: {  	v3 =	vand.u32 $0x7, v3  }
0x34: {  	v3 =	vor.u32 v3, v4  }
0x35: {  	v4 =	vperm.xlane v3, v0;
	_ =	sdelay $0x1  }
0x36: {  	v4 =	vadd.s32 v1, v4;
	_ =	sdelay $0x3  }
0x37: {  	v3 =	vperm.xlane v3, v2  }
0x38: {  	[hbm4b:s3+s2] =	stream.indirect_vreg.scatter [tilespmem:s15], [sflag:$0x1], $0x80, v4, vm0, $0xb8;
	[tilespmem:$0x18080] =	vst v63  }
0x39: {  	v3 =	vadd.s32 v1, v3  }
0x3a: {  	[hbm4b:s4+s2] =	stream.indirect_vreg.scatter [tilespmem:s16], [sflag:$0x1], $0x80, v4, vm0, $0xb8;
	[tilespmem:$0x18080] =	vst v63  }
0x3b: {  	_ = 	snop  }
0x3c: {  	[hbm4b:s5+s2] =	stream.indirect_vreg.scatter [tilespmem:s17], [sflag:$0x1], $0x80, v4, vm0, $0xb8;
	[tilespmem:$0x18080] =	vst v63  }
0x3d: {  	_ = 	snop  }
0x3e: {  	[hbm4b:s3+s2] =	stream.indirect_vreg.scatter [tilespmem:s18], [sflag:$0x1], $0x80, v3, vm0, $0xb8;
	[tilespmem:$0x18080] =	vst v63  }
0x3f: {  	_ = 	snop  }
0x40: {  	[hbm4b:s4+s2] =	stream.indirect_vreg.scatter [tilespmem:s19], [sflag:$0x1], $0x80, v3, vm0, $0xb8;
	[tilespmem:$0x18080] =	vst v63  }
0x41: {  	_ = 	snop  }
0x42: {  	[hbm4b:s5+s2] =	stream.indirect_vreg.scatter [tilespmem:s20], [sflag:$0x1], $0x80, v3, vm0, $0xb8;
	[tilespmem:$0x18080] =	vst v63  }
0x43: {  	v3 =	vld [tilespmem:$0x20];
	_ =	sdelay $0x4  }
0x44: {  	v50 =	vshrl.u32 v3, $0x3  }
0x45: {  	v4 =	vmul.u32 $0x30, v50  }
0x46: {  	v3 =	vand.u32 $0x7, v3  }
0x47: {  	v3 =	vor.u32 v3, v4  }
0x48: {  	v4 =	vperm.xlane v3, v0;
	_ =	sdelay $0x1  }
0x49: {  	v4 =	vadd.s32 v1, v4;
	_ =	sdelay $0x3  }
0x4a: {  	v3 =	vperm.xlane v3, v2  }
0x4b: {  	[hbm4b:s3+s2] =	stream.indirect_vreg.scatter [tilespmem:s21], [sflag:$0x1], $0x80, v4, vm0, $0xb8;
	[tilespmem:$0x18080] =	vst v63  }
0x4c: {  	v3 =	vadd.s32 v1, v3  }
0x4d: {  	[hbm4b:s4+s2] =	stream.indirect_vreg.scatter [tilespmem:s22], [sflag:$0x1], $0x80, v4, vm0, $0xb8;
	[tilespmem:$0x18080] =	vst v63  }
0x4e: {  	_ = 	snop  }
0x4f: {  	[hbm4b:s5+s2] =	stream.indirect_vreg.scatter [tilespmem:s23], [sflag:$0x1], $0x80, v4, vm0, $0xb8;
	[tilespmem:$0x18080] =	vst v63  }
0x50: {  	_ = 	snop  }
0x51: {  	[hbm4b:s3+s2] =	stream.indirect_vreg.scatter [tilespmem:s24], [sflag:$0x1], $0x80, v3, vm0, $0xb8;
	[tilespmem:$0x18080] =	vst v63  }
0x52: {  	_ = 	snop  }
0x53: {  	[hbm4b:s4+s2] =	stream.indirect_vreg.scatter [tilespmem:s25], [sflag:$0x1], $0x80, v3, vm0, $0xb8;
	[tilespmem:$0x18080] =	vst v63  }
0x54: {  	_ = 	snop  }
0x55: {  	[hbm4b:s5+s2] =	stream.indirect_vreg.scatter [tilespmem:s26], [sflag:$0x1], $0x80, v3, vm0, $0xb8;
	[tilespmem:$0x18080] =	vst v63  }
0x56: {  	v3 =	vld [tilespmem:$0x30];
	_ =	sdelay $0x4  }
0x57: {  	v51 =	vshrl.u32 v3, $0x3  }
0x58: {  	v4 =	vmul.u32 $0x30, v51  }
0x59: {  	v3 =	vand.u32 $0x7, v3  }
0x5a: {  	v3 =	vor.u32 v3, v4  }
0x5b: {  	v4 =	vperm.xlane v3, v0;
	_ =	sdelay $0x1  }
0x5c: {  	v4 =	vadd.s32 v1, v4;
	_ =	sdelay $0x3  }
0x5d: {  	v3 =	vperm.xlane v3, v2  }
0x5e: {  	[hbm4b:s3+s2] =	stream.indirect_vreg.scatter [tilespmem:s28], [sflag:$0x1], $0x80, v4, vm0, $0xb8;
	[tilespmem:$0x18080] =	vst v63  }
0x5f: {  	v3 =	vadd.s32 v1, v3  }
0x60: {  	[hbm4b:s4+s2] =	stream.indirect_vreg.scatter [tilespmem:s29], [sflag:$0x1], $0x80, v4, vm0, $0xb8;
	[tilespmem:$0x18080] =	vst v63  }
0x61: {  	_ = 	snop  }
0x62: {  	[hbm4b:s5+s2] =	stream.indirect_vreg.scatter [tilespmem:s30], [sflag:$0x1], $0x80, v4, vm0, $0xb8;
	[tilespmem:$0x18080] =	vst v63  }
0x63: {  	_ = 	snop  }
0x64: {  	[hbm4b:s3+s2] =	stream.indirect_vreg.scatter [tilespmem:s31], [sflag:$0x1], $0x80, v3, vm0, $0xb8;
	[tilespmem:$0x18080] =	vst v63  }
0x65: {  	s8 =	simm.s32 $0xB080  }
0x66: {  	[hbm4b:s4+s2] =	stream.indirect_vreg.scatter [tilespmem:s8], [sflag:$0x1], $0x80, v3, vm0, $0xb8;
	[tilespmem:$0x18080] =	vst v63  }
0x67: {  	s8 =	simm.s32 $0xB880  }
0x68: {  	[hbm4b:s5+s2] =	stream.indirect_vreg.scatter [tilespmem:s8], [sflag:$0x1], $0x80, v3, vm0, $0xb8;
	[tilespmem:$0x18080] =	vst v63  }
0x69: {  	v3 =	vld [tilespmem:$0x40];
	_ =	sdelay $0x4  }
0x6a: {  	v52 =	vshrl.u32 v3, $0x3  }
0x6b: {  	v4 =	vmul.u32 $0x30, v52  }
0x6c: {  	v3 =	vand.u32 $0x7, v3  }
0x6d: {  	v3 =	vor.u32 v3, v4  }
0x6e: {  	v4 =	vperm.xlane v3, v0;
	_ =	sdelay $0x1  }
0x6f: {  	v4 =	vadd.s32 v1, v4;
	_ =	sdelay $0x3  }
0x70: {  	s9 =	simm.s32 $0xC080;
	v3 =	vperm.xlane v3, v2  }
0x71: {  	[hbm4b:s3+s2] =	stream.indirect_vreg.scatter [tilespmem:s9], [sflag:$0x1], $0x80, v4, vm0, $0xb8;
	[tilespmem:$0x18080] =	vst v63  }
0x72: {  	v3 =	vadd.s32 v1, v3;
	s9 =	simm.s32 $0xC880  }
0x73: {  	[hbm4b:s4+s2] =	stream.indirect_vreg.scatter [tilespmem:s9], [sflag:$0x1], $0x80, v4, vm0, $0xb8;
	[tilespmem:$0x18080] =	vst v63  }
0x74: {  	s9 =	simm.s32 $0xD080  }
0x75: {  	[hbm4b:s5+s2] =	stream.indirect_vreg.scatter [tilespmem:s9], [sflag:$0x1], $0x80, v4, vm0, $0xb8;
	[tilespmem:$0x18080] =	vst v63  }
0x76: {  	s9 =	simm.s32 $0xD880  }
0x77: {  	[hbm4b:s3+s2] =	stream.indirect_vreg.scatter [tilespmem:s9], [sflag:$0x1], $0x80, v3, vm0, $0xb8;
	[tilespmem:$0x18080] =	vst v63  }
0x78: {  	s9 =	simm.s32 $0xE080  }
0x79: {  	[hbm4b:s4+s2] =	stream.indirect_vreg.scatter [tilespmem:s9], [sflag:$0x1], $0x80, v3, vm0, $0xb8;
	[tilespmem:$0x18080] =	vst v63  }
0x7a: {  	s9 =	simm.s32 $0xE880  }
0x7b: {  	[hbm4b:s5+s2] =	stream.indirect_vreg.scatter [tilespmem:s9], [sflag:$0x1], $0x80, v3, vm0, $0xb8;
	[tilespmem:$0x18080] =	vst v63  }
0x7c: {  	v3 =	vld [tilespmem:$0x50];
	_ =	sdelay $0x4  }
0x7d: {  	v53 =	vshrl.u32 v3, $0x3  }
0x7e: {  	v4 =	vmul.u32 $0x30, v53  }
0x7f: {  	v3 =	vand.u32 $0x7, v3  }
0x80: {  	v3 =	vor.u32 v3, v4  }
0x81: {  	v4 =	vperm.xlane v3, v0;
	_ =	sdelay $0x1  }
0x82: {  	v4 =	vadd.s32 v1, v4;
	_ =	sdelay $0x3  }
0x83: {  	s9 =	simm.s32 $0xF080;
	v3 =	vperm.xlane v3, v2  }
0x84: {  	[hbm4b:s3+s2] =	stream.indirect_vreg.scatter [tilespmem:s9], [sflag:$0x1], $0x80, v4, vm0, $0xb8;
	[tilespmem:$0x18080] =	vst v63  }
0x85: {  	v3 =	vadd.s32 v1, v3;
	s9 =	simm.s32 $0xF880  }
0x86: {  	[hbm4b:s4+s2] =	stream.indirect_vreg.scatter [tilespmem:s9], [sflag:$0x1], $0x80, v4, vm0, $0xb8;
	[tilespmem:$0x18080] =	vst v63  }
0x87: {  	s9 =	simm.s32 $0x10080  }
0x88: {  	[hbm4b:s5+s2] =	stream.indirect_vreg.scatter [tilespmem:s9], [sflag:$0x1], $0x80, v4, vm0, $0xb8;
	[tilespmem:$0x18080] =	vst v63  }
0x89: {  	s9 =	simm.s32 $0x10880  }
0x8a: {  	[hbm4b:s3+s2] =	stream.indirect_vreg.scatter [tilespmem:s9], [sflag:$0x1], $0x80, v3, vm0, $0xb8;
	[tilespmem:$0x18080] =	vst v63  }
0x8b: {  	s9 =	simm.s32 $0x11080  }
0x8c: {  	[hbm4b:s4+s2] =	stream.indirect_vreg.scatter [tilespmem:s9], [sflag:$0x1], $0x80, v3, vm0, $0xb8;
	[tilespmem:$0x18080] =	vst v63  }
0x8d: {  	s9 =	simm.s32 $0x11880  }
0x8e: {  	[hbm4b:s5+s2] =	stream.indirect_vreg.scatter [tilespmem:s9], [sflag:$0x1], $0x80, v3, vm0, $0xb8;
	[tilespmem:$0x18080] =	vst v63  }
0x8f: {  	v3 =	vld [tilespmem:$0x60];
	_ =	sdelay $0x4  }
0x90: {  	v54 =	vshrl.u32 v3, $0x3  }
0x91: {  	v4 =	vmul.u32 $0x30, v54  }
0x92: {  	v3 =	vand.u32 $0x7, v3  }
0x93: {  	v3 =	vor.u32 v3, v4  }
0x94: {  	v4 =	vperm.xlane v3, v0;
	_ =	sdelay $0x1  }
0x95: {  	v4 =	vadd.s32 v1, v4;
	_ =	sdelay $0x3  }
0x96: {  	s9 =	simm.s32 $0x12080;
	v3 =	vperm.xlane v3, v2  }
0x97: {  	[hbm4b:s3+s2] =	stream.indirect_vreg.scatter [tilespmem:s9], [sflag:$0x1], $0x80, v4, vm0, $0xb8;
	[tilespmem:$0x18080] =	vst v63  }
0x98: {  	v3 =	vadd.s32 v1, v3;
	s9 =	simm.s32 $0x12880  }
0x99: {  	[hbm4b:s4+s2] =	stream.indirect_vreg.scatter [tilespmem:s9], [sflag:$0x1], $0x80, v4, vm0, $0xb8;
	[tilespmem:$0x18080] =	vst v63  }
0x9a: {  	s9 =	simm.s32 $0x13080  }
0x9b: {  	[hbm4b:s5+s2] =	stream.indirect_vreg.scatter [tilespmem:s9], [sflag:$0x1], $0x80, v4, vm0, $0xb8;
	[tilespmem:$0x18080] =	vst v63  }
0x9c: {  	s9 =	simm.s32 $0x13880  }
0x9d: {  	[hbm4b:s3+s2] =	stream.indirect_vreg.scatter [tilespmem:s9], [sflag:$0x1], $0x80, v3, vm0, $0xb8;
	[tilespmem:$0x18080] =	vst v63  }
0x9e: {  	s9 =	simm.s32 $0x14080  }
0x9f: {  	[hbm4b:s4+s2] =	stream.indirect_vreg.scatter [tilespmem:s9], [sflag:$0x1], $0x80, v3, vm0, $0xb8;
	[tilespmem:$0x18080] =	vst v63  }
0xa0: {  	s9 =	simm.s32 $0x14880  }
0xa1: {  	[hbm4b:s5+s2] =	stream.indirect_vreg.scatter [tilespmem:s9], [sflag:$0x1], $0x80, v3, vm0, $0xb8;
	[tilespmem:$0x18080] =	vst v63  }
0xa2: {  	v3 =	vld [tilespmem:$0x70];
	_ =	sdelay $0x4  }
0xa3: {  	v55 =	vshrl.u32 v3, $0x3  }
0xa4: {  	v4 =	vmul.u32 $0x30, v55  }
0xa5: {  	v3 =	vand.u32 $0x7, v3  }
0xa6: {  	v3 =	vor.u32 v3, v4  }
0xa7: {  	v4 =	vperm.xlane v3, v0;
	_ =	sdelay $0x1  }
0xa8: {  	v4 =	vadd.s32 v1, v4;
	_ =	sdelay $0x3  }
0xa9: {  	s9 =	simm.s32 $0x15080;
	v3 =	vperm.xlane v3, v2  }
0xaa: {  	[hbm4b:s3+s2] =	stream.indirect_vreg.scatter [tilespmem:s9], [sflag:$0x1], $0x80, v4, vm0, $0xb8;
	[tilespmem:$0x18080] =	vst v63  }
0xab: {  	v3 =	vadd.s32 v1, v3;
	s9 =	simm.s32 $0x15880  }
0xac: {  	[hbm4b:s4+s2] =	stream.indirect_vreg.scatter [tilespmem:s9], [sflag:$0x1], $0x80, v4, vm0, $0xb8;
	[tilespmem:$0x18080] =	vst v63  }
0xad: {  	s9 =	simm.s32 $0x16080  }
0xae: {  	[hbm4b:s5+s2] =	stream.indirect_vreg.scatter [tilespmem:s9], [sflag:$0x1], $0x80, v4, vm0, $0xb8;
	[tilespmem:$0x18080] =	vst v63  }
0xaf: {  	s9 =	simm.s32 $0x16880  }
0xb0: {  	[hbm4b:s3+s2] =	stream.indirect_vreg.scatter [tilespmem:s9], [sflag:$0x1], $0x80, v3, vm0, $0xb8;
	[tilespmem:$0x18080] =	vst v63  }
0xb1: {  	s9 =	simm.s32 $0x17080  }
0xb2: {  	[hbm4b:s4+s2] =	stream.indirect_vreg.scatter [tilespmem:s9], [sflag:$0x1], $0x80, v3, vm0, $0xb8;
	[tilespmem:$0x18080] =	vst v63  }
0xb3: {  	s9 =	simm.s32 $0x17880  }
0xb4: {  	[hbm4b:s5+s2] =	stream.indirect_vreg.scatter [tilespmem:s9], [sflag:$0x1], $0x80, v3, vm0, $0xb8;
	[tilespmem:$0x18080] =	vst v63  }
0xb5: {  	_ =	swait.ge [sflag:s1], $0x18000  }
0xb6: {  	[sflag:s1] =	ssyncset.done $0x0  }
0xb7: {  	s9 =	rddreg [dreg:$0x5];
	[sflag:s1] =	ssyncadd.s32 $0xFFFE8000  }
0xb8: {  	[tilespmem:s2], [sflag:$0x2] =	stream.linear.gather [hbm4b:s9+s2], $0x80, $0x38;
	[tilespmem:$0x18080] =	vst v63  }
0xb9: {  	_ =	swait.ge [sflag:s7], $0x80  }
0xba: {  	[sflag:s7] =	ssyncset.done $0x0  }
0xbb: {  	s9 =	rddreg [dreg:$0x6];
	[sflag:s7] =	ssyncadd.s32 $0xFFFFFF80  }
0xbc: {  	[tilespmem:s0], [sflag:$0x2] =	stream.linear.gather [hbm4b:s9+s2], $0x18000, $0x38;
	[tilespmem:$0x18080] =	vst v63  }
0xbd: {  	_ =	swait.ge [sflag:s7], $0x18000  }
0xbe: {  	[sflag:s7] =	ssyncset.done $0x0  }
0xbf: {  	[sflag:s7] =	ssyncadd.s32 $0xFFFE8000  }
0xc0: {  	v3 =	vld [tilespmem:$0x0];
	_ =	sdelay $0x4  }
0xc1: {  	v56 =	vshrl.u32 v3, $0x3  }
0xc2: {  	v4 =	vmul.u32 $0x30, v56  }
0xc3: {  	v3 =	vand.u32 $0x7, v3  }
0xc4: {  	v3 =	vor.u32 v3, v4  }
0xc5: {  	v4 =	vperm.xlane v3, v0;
	_ =	sdelay $0x1  }
0xc6: {  	v4 =	vadd.s32 v1, v4;
	_ =	sdelay $0x3  }
0xc7: {  	v3 =	vperm.xlane v3, v2  }
0xc8: {  	[hbm4b:s3+s2] =	stream.indirect_vreg.scatter [tilespmem:s0], [sflag:$0x1], $0x80, v4, vm0, $0xb8;
	[tilespmem:$0x18080] =	vst v63  }
0xc9: {  	v3 =	vadd.s32 v1, v3  }
0xca: {  	[hbm4b:s4+s2] =	stream.indirect_vreg.scatter [tilespmem:s10], [sflag:$0x1], $0x80, v4, vm0, $0xb8;
	[tilespmem:$0x18080] =	vst v63  }
0xcb: {  	_ = 	snop  }
0xcc: {  	[hbm4b:s5+s2] =	stream.indirect_vreg.scatter [tilespmem:s11], [sflag:$0x1], $0x80, v4, vm0, $0xb8;
	[tilespmem:$0x18080] =	vst v63  }
0xcd: {  	_ = 	snop  }
0xce: {  	[hbm4b:s3+s2] =	stream.indirect_vreg.scatter [tilespmem:s12], [sflag:$0x1], $0x80, v3, vm0, $0xb8;
	[tilespmem:$0x18080] =	vst v63  }
0xcf: {  	_ = 	snop  }
0xd0: {  	[hbm4b:s4+s2] =	stream.indirect_vreg.scatter [tilespmem:s13], [sflag:$0x1], $0x80, v3, vm0, $0xb8;
	[tilespmem:$0x18080] =	vst v63  }
0xd1: {  	_ = 	snop  }
0xd2: {  	[hbm4b:s5+s2] =	stream.indirect_vreg.scatter [tilespmem:s14], [sflag:$0x1], $0x80, v3, vm0, $0xb8;
	[tilespmem:$0x18080] =	vst v63  }
0xd3: {  	v3 =	vld [tilespmem:$0x10];
	_ =	sdelay $0x4  }
0xd4: {  	v57 =	vshrl.u32 v3, $0x3  }
0xd5: {  	v4 =	vmul.u32 $0x30, v57  }
0xd6: {  	v3 =	vand.u32 $0x7, v3  }
0xd7: {  	v3 =	vor.u32 v3, v4  }
0xd8: {  	v4 =	vperm.xlane v3, v0;
	_ =	sdelay $0x1  }
0xd9: {  	v4 =	vadd.s32 v1, v4;
	_ =	sdelay $0x3  }
0xda: {  	v3 =	vperm.xlane v3, v2  }
0xdb: {  	[hbm4b:s3+s2] =	stream.indirect_vreg.scatter [tilespmem:s15], [sflag:$0x1], $0x80, v4, vm0, $0xb8;
	[tilespmem:$0x18080] =	vst v63  }
0xdc: {  	v3 =	vadd.s32 v1, v3  }
0xdd: {  	[hbm4b:s4+s2] =	stream.indirect_vreg.scatter [tilespmem:s16], [sflag:$0x1], $0x80, v4, vm0, $0xb8;
	[tilespmem:$0x18080] =	vst v63  }
0xde: {  	_ = 	snop  }
0xdf: {  	[hbm4b:s5+s2] =	stream.indirect_vreg.scatter [tilespmem:s17], [sflag:$0x1], $0x80, v4, vm0, $0xb8;
	[tilespmem:$0x18080] =	vst v63  }
0xe0: {  	_ = 	snop  }
0xe1: {  	[hbm4b:s3+s2] =	stream.indirect_vreg.scatter [tilespmem:s18], [sflag:$0x1], $0x80, v3, vm0, $0xb8;
	[tilespmem:$0x18080] =	vst v63  }
0xe2: {  	_ = 	snop  }
0xe3: {  	[hbm4b:s4+s2] =	stream.indirect_vreg.scatter [tilespmem:s19], [sflag:$0x1], $0x80, v3, vm0, $0xb8;
	[tilespmem:$0x18080] =	vst v63  }
0xe4: {  	_ = 	snop  }
0xe5: {  	[hbm4b:s5+s2] =	stream.indirect_vreg.scatter [tilespmem:s20], [sflag:$0x1], $0x80, v3, vm0, $0xb8;
	[tilespmem:$0x18080] =	vst v63  }
0xe6: {  	v3 =	vld [tilespmem:$0x20];
	_ =	sdelay $0x4  }
0xe7: {  	v58 =	vshrl.u32 v3, $0x3  }
0xe8: {  	v4 =	vmul.u32 $0x30, v58  }
0xe9: {  	v3 =	vand.u32 $0x7, v3  }
0xea: {  	v3 =	vor.u32 v3, v4  }
0xeb: {  	v4 =	vperm.xlane v3, v0;
	_ =	sdelay $0x1  }
0xec: {  	v4 =	vadd.s32 v1, v4;
	_ =	sdelay $0x3  }
0xed: {  	v3 =	vperm.xlane v3, v2  }
0xee: {  	[hbm4b:s3+s2] =	stream.indirect_vreg.scatter [tilespmem:s21], [sflag:$0x1], $0x80, v4, vm0, $0xb8;
	[tilespmem:$0x18080] =	vst v63  }
0xef: {  	v3 =	vadd.s32 v1, v3  }
0xf0: {  	[hbm4b:s4+s2] =	stream.indirect_vreg.scatter [tilespmem:s22], [sflag:$0x1], $0x80, v4, vm0, $0xb8;
	[tilespmem:$0x18080] =	vst v63  }
0xf1: {  	_ = 	snop  }
0xf2: {  	[hbm4b:s5+s2] =	stream.indirect_vreg.scatter [tilespmem:s23], [sflag:$0x1], $0x80, v4, vm0, $0xb8;
	[tilespmem:$0x18080] =	vst v63  }
0xf3: {  	_ = 	snop  }
0xf4: {  	[hbm4b:s3+s2] =	stream.indirect_vreg.scatter [tilespmem:s24], [sflag:$0x1], $0x80, v3, vm0, $0xb8;
	[tilespmem:$0x18080] =	vst v63  }
0xf5: {  	_ = 	snop  }
0xf6: {  	[hbm4b:s4+s2] =	stream.indirect_vreg.scatter [tilespmem:s25], [sflag:$0x1], $0x80, v3, vm0, $0xb8;
	[tilespmem:$0x18080] =	vst v63  }
0xf7: {  	_ = 	snop  }
0xf8: {  	[hbm4b:s5+s2] =	stream.indirect_vreg.scatter [tilespmem:s26], [sflag:$0x1], $0x80, v3, vm0, $0xb8;
	[tilespmem:$0x18080] =	vst v63  }
0xf9: {  	v3 =	vld [tilespmem:$0x30];
	_ =	sdelay $0x4  }
0xfa: {  	v59 =	vshrl.u32 v3, $0x3  }
0xfb: {  	v4 =	vmul.u32 $0x30, v59  }
0xfc: {  	v3 =	vand.u32 $0x7, v3  }
0xfd: {  	v3 =	vor.u32 v3, v4  }
0xfe: {  	v4 =	vperm.xlane v3, v0;
	_ =	sdelay $0x1  }
0xff: {  	v4 =	vadd.s32 v1, v4;
	_ =	sdelay $0x3  }
0x100: {  	v3 =	vperm.xlane v3, v2  }
0x101: {  	[hbm4b:s3+s2] =	stream.indirect_vreg.scatter [tilespmem:s28], [sflag:$0x1], $0x80, v4, vm0, $0xb8;
	[tilespmem:$0x18080] =	vst v63  }
0x102: {  	v3 =	vadd.s32 v1, v3  }
0x103: {  	[hbm4b:s4+s2] =	stream.indirect_vreg.scatter [tilespmem:s29], [sflag:$0x1], $0x80, v4, vm0, $0xb8;
	[tilespmem:$0x18080] =	vst v63  }
0x104: {  	_ = 	snop  }
0x105: {  	[hbm4b:s5+s2] =	stream.indirect_vreg.scatter [tilespmem:s30], [sflag:$0x1], $0x80, v4, vm0, $0xb8;
	[tilespmem:$0x18080] =	vst v63  }
0x106: {  	_ = 	snop  }
0x107: {  	[hbm4b:s3+s2] =	stream.indirect_vreg.scatter [tilespmem:s31], [sflag:$0x1], $0x80, v3, vm0, $0xb8;
	[tilespmem:$0x18080] =	vst v63  }
0x108: {  	s9 =	simm.s32 $0xB080  }
0x109: {  	[hbm4b:s4+s2] =	stream.indirect_vreg.scatter [tilespmem:s9], [sflag:$0x1], $0x80, v3, vm0, $0xb8;
	[tilespmem:$0x18080] =	vst v63  }
0x10a: {  	_ = 	snop  }
0x10b: {  	[hbm4b:s5+s2] =	stream.indirect_vreg.scatter [tilespmem:s8], [sflag:$0x1], $0x80, v3, vm0, $0xb8;
	[tilespmem:$0x18080] =	vst v63  }
0x10c: {  	v3 =	vld [tilespmem:$0x40];
	_ =	sdelay $0x4  }
0x10d: {  	v60 =	vshrl.u32 v3, $0x3  }
0x10e: {  	v4 =	vmul.u32 $0x30, v60  }
0x10f: {  	v3 =	vand.u32 $0x7, v3  }
0x110: {  	v3 =	vor.u32 v3, v4  }
0x111: {  	v4 =	vperm.xlane v3, v0;
	_ =	sdelay $0x1  }
0x112: {  	v4 =	vadd.s32 v1, v4;
	_ =	sdelay $0x3  }
0x113: {  	s8 =	simm.s32 $0xC080;
	v3 =	vperm.xlane v3, v2  }
0x114: {  	[hbm4b:s3+s2] =	stream.indirect_vreg.scatter [tilespmem:s8], [sflag:$0x1], $0x80, v4, vm0, $0xb8;
	[tilespmem:$0x18080] =	vst v63  }
0x115: {  	s9 =	simm.s32 $0xC880;
	v3 =	vadd.s32 v1, v3  }
0x116: {  	[hbm4b:s4+s2] =	stream.indirect_vreg.scatter [tilespmem:s9], [sflag:$0x1], $0x80, v4, vm0, $0xb8;
	[tilespmem:$0x18080] =	vst v63  }
0x117: {  	s8 =	simm.s32 $0xD080  }
0x118: {  	[hbm4b:s5+s2] =	stream.indirect_vreg.scatter [tilespmem:s8], [sflag:$0x1], $0x80, v4, vm0, $0xb8;
	[tilespmem:$0x18080] =	vst v63  }
0x119: {  	s9 =	simm.s32 $0xD880  }
0x11a: {  	[hbm4b:s3+s2] =	stream.indirect_vreg.scatter [tilespmem:s9], [sflag:$0x1], $0x80, v3, vm0, $0xb8;
	[tilespmem:$0x18080] =	vst v63  }
0x11b: {  	s8 =	simm.s32 $0xE080  }
0x11c: {  	[hbm4b:s4+s2] =	stream.indirect_vreg.scatter [tilespmem:s8], [sflag:$0x1], $0x80, v3, vm0, $0xb8;
	[tilespmem:$0x18080] =	vst v63  }
0x11d: {  	s9 =	simm.s32 $0xE880  }
0x11e: {  	[hbm4b:s5+s2] =	stream.indirect_vreg.scatter [tilespmem:s9], [sflag:$0x1], $0x80, v3, vm0, $0xb8;
	[tilespmem:$0x18080] =	vst v63  }
0x11f: {  	v3 =	vld [tilespmem:$0x50];
	_ =	sdelay $0x4  }
0x120: {  	v61 =	vshrl.u32 v3, $0x3  }
0x121: {  	v4 =	vmul.u32 $0x30, v61  }
0x122: {  	v3 =	vand.u32 $0x7, v3  }
0x123: {  	v3 =	vor.u32 v3, v4  }
0x124: {  	v4 =	vperm.xlane v3, v0;
	_ =	sdelay $0x1  }
0x125: {  	v4 =	vadd.s32 v1, v4;
	_ =	sdelay $0x3  }
0x126: {  	s8 =	simm.s32 $0xF080;
	v3 =	vperm.xlane v3, v2  }
0x127: {  	[hbm4b:s3+s2] =	stream.indirect_vreg.scatter [tilespmem:s8], [sflag:$0x1], $0x80, v4, vm0, $0xb8;
	[tilespmem:$0x18080] =	vst v63  }
0x128: {  	s9 =	simm.s32 $0xF880;
	v3 =	vadd.s32 v1, v3  }
0x129: {  	[hbm4b:s4+s2] =	stream.indirect_vreg.scatter [tilespmem:s9], [sflag:$0x1], $0x80, v4, vm0, $0xb8;
	[tilespmem:$0x18080] =	vst v63  }
0x12a: {  	s8 =	simm.s32 $0x10080  }
0x12b: {  	[hbm4b:s5+s2] =	stream.indirect_vreg.scatter [tilespmem:s8], [sflag:$0x1], $0x80, v4, vm0, $0xb8;
	[tilespmem:$0x18080] =	vst v63  }
0x12c: {  	s9 =	simm.s32 $0x10880  }
0x12d: {  	[hbm4b:s3+s2] =	stream.indirect_vreg.scatter [tilespmem:s9], [sflag:$0x1], $0x80, v3, vm0, $0xb8;
	[tilespmem:$0x18080] =	vst v63  }
0x12e: {  	s8 =	simm.s32 $0x11080  }
0x12f: {  	[hbm4b:s4+s2] =	stream.indirect_vreg.scatter [tilespmem:s8], [sflag:$0x1], $0x80, v3, vm0, $0xb8;
	[tilespmem:$0x18080] =	vst v63  }
0x130: {  	s9 =	simm.s32 $0x11880  }
0x131: {  	[hbm4b:s5+s2] =	stream.indirect_vreg.scatter [tilespmem:s9], [sflag:$0x1], $0x80, v3, vm0, $0xb8;
	[tilespmem:$0x18080] =	vst v63  }
0x132: {  	v3 =	vld [tilespmem:$0x60];
	_ =	sdelay $0x4  }
0x133: {  	v62 =	vshrl.u32 v3, $0x3  }
0x134: {  	v4 =	vmul.u32 $0x30, v62  }
0x135: {  	v3 =	vand.u32 $0x7, v3  }
0x136: {  	v3 =	vor.u32 v3, v4  }
0x137: {  	v4 =	vperm.xlane v3, v0;
	_ =	sdelay $0x1  }
0x138: {  	v4 =	vadd.s32 v1, v4;
	_ =	sdelay $0x3  }
0x139: {  	s8 =	simm.s32 $0x12080;
	v3 =	vperm.xlane v3, v2  }
0x13a: {  	[hbm4b:s3+s2] =	stream.indirect_vreg.scatter [tilespmem:s8], [sflag:$0x1], $0x80, v4, vm0, $0xb8;
	[tilespmem:$0x18080] =	vst v63  }
0x13b: {  	s9 =	simm.s32 $0x12880;
	v3 =	vadd.s32 v1, v3  }
0x13c: {  	[hbm4b:s4+s2] =	stream.indirect_vreg.scatter [tilespmem:s9], [sflag:$0x1], $0x80, v4, vm0, $0xb8;
	[tilespmem:$0x18080] =	vst v63  }
0x13d: {  	s8 =	simm.s32 $0x13080  }
0x13e: {  	[hbm4b:s5+s2] =	stream.indirect_vreg.scatter [tilespmem:s8], [sflag:$0x1], $0x80, v4, vm0, $0xb8;
	[tilespmem:$0x18080] =	vst v63  }
0x13f: {  	s9 =	simm.s32 $0x13880  }
0x140: {  	[hbm4b:s3+s2] =	stream.indirect_vreg.scatter [tilespmem:s9], [sflag:$0x1], $0x80, v3, vm0, $0xb8;
	[tilespmem:$0x18080] =	vst v63  }
0x141: {  	s8 =	simm.s32 $0x14080  }
0x142: {  	[hbm4b:s4+s2] =	stream.indirect_vreg.scatter [tilespmem:s8], [sflag:$0x1], $0x80, v3, vm0, $0xb8;
	[tilespmem:$0x18080] =	vst v63  }
0x143: {  	s9 =	simm.s32 $0x14880  }
0x144: {  	[hbm4b:s5+s2] =	stream.indirect_vreg.scatter [tilespmem:s9], [sflag:$0x1], $0x80, v3, vm0, $0xb8;
	[tilespmem:$0x18080] =	vst v63  }
0x145: {  	v3 =	vld [tilespmem:$0x70];
	_ =	sdelay $0x4  }
0x146: {  	v63 =	vshrl.u32 v3, $0x3  }
0x147: {  	v4 =	vmul.u32 $0x30, v63  }
0x148: {  	v3 =	vand.u32 $0x7, v3  }
0x149: {  	v3 =	vor.u32 v3, v4  }
0x14a: {  	v4 =	vperm.xlane v3, v0;
	_ =	sdelay $0x1  }
0x14b: {  	v4 =	vadd.s32 v1, v4;
	_ =	sdelay $0x3  }
0x14c: {  	s8 =	simm.s32 $0x15080;
	v3 =	vperm.xlane v3, v2  }
0x14d: {  	[hbm4b:s3+s2] =	stream.indirect_vreg.scatter [tilespmem:s8], [sflag:$0x1], $0x80, v4, vm0, $0xb8;
	[tilespmem:$0x18080] =	vst v63  }
0x14e: {  	s9 =	simm.s32 $0x15880;
	v3 =	vadd.s32 v1, v3  }
0x14f: {  	[hbm4b:s4+s2] =	stream.indirect_vreg.scatter [tilespmem:s9], [sflag:$0x1], $0x80, v4, vm0, $0xb8;
	[tilespmem:$0x18080] =	vst v63  }
0x150: {  	s8 =	simm.s32 $0x16080  }
0x151: {  	[hbm4b:s5+s2] =	stream.indirect_vreg.scatter [tilespmem:s8], [sflag:$0x1], $0x80, v4, vm0, $0xb8;
	[tilespmem:$0x18080] =	vst v63  }
0x152: {  	s9 =	simm.s32 $0x16880  }
0x153: {  	[hbm4b:s3+s2] =	stream.indirect_vreg.scatter [tilespmem:s9], [sflag:$0x1], $0x80, v3, vm0, $0xb8;
	[tilespmem:$0x18080] =	vst v63  }
0x154: {  	p0 =	sne.s32 s6, $0x1;
	s8 =	simm.s32 $0x17080  }
0x155: {  	[hbm4b:s4+s2] =	stream.indirect_vreg.scatter [tilespmem:s8], [sflag:$0x1], $0x80, v3, vm0, $0xb8;
	[tilespmem:$0x18080] =	vst v63  }
.Ltmp0:
0x156: {  	s9 =	simm.s32 $0x17880;
	(pc) =	sbr.rel @p0 .LBB2_1-.Ltmp0, $4  }
0x157: {  	[hbm4b:s5+s2] =	stream.indirect_vreg.scatter [tilespmem:s9], [sflag:$0x1], $0x80, v3, vm0, $0xb8;
	[tilespmem:$0x18080] =	vst v63  }
0x158: {  	_ =	swait.ge [sflag:s1], $0x18000  }
0x159: {  	[sflag:s1] =	ssyncset.done $0x0  }
0x15a: {  	s6 =	sadd.s32 $0xFFFFFFFF, s6;
	[sflag:s1] =	ssyncadd.s32 $0xFFFE8000  }
0x15b: {  	_ =	sfence.sel $0x180000  }
0x15c: {  	[bflag:$0x0] =	sbarrier.arrive $0xFFFF  }
0x15d: {  	_ =	strace $0x90000047  }
0x15e: {  	s0 =	stileid.u32;
	[bflag:$0x2] =	sbarrier.arrive $0xFFFF  }
0x15f: {  	p0 =	sne.s32 s0, $0x0;
	s0 =	rddreg [dreg:$0x2]  }
0x160: {  	s0 =	sadd.s32 @!p0 $0x100000, s0  }
0x161: {  	[sflag:s0] =	ssyncadd.tile.s32 @!p0 $0x1;
	_ =	shalt  }
.Lfunc_end2:
_tile_overlayer_lowered:
.L_overlay_start_2:
0x162: {  	(tag) =	ssettag $0x2  }
0x163: {  	s0 =	rddreg [dreg:$0x0];
	s2 =	stileid.u32  }
0x164: {  	s1 =	rddreg [dreg:$0x1];
	p0 =	sne.s32 s2, $0x0  }
0x165: {  	s3 =	rddreg [dreg:$0x2];
	[bflag:$0x3] =	sbarrier.arrive $0xFFFF;
	s2 =	simm.s32 @!p0 $0x1C02  }
0x166: {  	[timem:s3], [sflag:s2] =	dma.local @!p0 [hbm:s0], s1  }
0x167: {  	s0 =	simm.s32 @!p0 $0x2  }
0x168: {  	_ =	swait.ge @!p0 [sflag:s0], s1  }
0x169: {  	s1 =	ssub.s32 @!p0 $0x0, s1;
	[sflag:s0] =	ssyncset.done @!p0 $0x0  }
0x16a: {  	[sflag:s0] =	ssyncadd.s32 @!p0 s1  }
0x16b: {  	[bflag:$0x3] =	sbarrier.arrive $0xFFFF  }
0x16c: {  	_ =	shalt  }

// kernel: kernel.9.cloned.1.call-start
scs
__scs_entry_jumppad:
0x0: {  	(pc) =	sbr.rel $0x88, $3  }
0x1: {  	(tag) =	ssettag $0x0;
	lr =	simm.s32 $0x1  }
0x2: {  	[smem:$0x3F99] =	sst lr;
	_ =	strace $0xD0000000  }
0x3: {  	_ = 	snop  }
0x4: {  	_ = 	snop  }
0x5: {  	_ = 	snop  }
0x6: {  	_ = 	snop  }
0x7: {  	_ = 	snop  }
__scs_overlays_trampoline_lowered:
0x8: {  	[smem:$0x3FA8] =	sst s0  }
0x9: {  	[smem:$0x3FA9] =	sst s1  }
0xa: {  	[smem:$0x3FAA] =	sst s2  }
0xb: {  	[smem:$0x3FAB] =	sst s3  }
0xc: {  	[smem:$0x3FAC] =	sst s4  }
0xd: {  	[smem:$0x3FAD] =	sst s5  }
0xe: {  	[smem:$0x3FAE] =	sst s6  }
0xf: {  	[smem:$0x3FAF] =	sst s7  }
0x10: {  	[smem:$0x3FB0] =	sst s8  }
0x11: {  	[smem:$0x3FB1] =	sst s9;
	s0 =	simm.s32 @!p0 $0x0  }
0x12: {  	s1 =	sld [smem:$0x3F97];
	s0 =	simm.s32 @p0 $0x1  }
0x13: {  	[smem:$0x3FB2] =	sst s0;
	s0 =	simm.s32 @!p1 $0x0  }
0x14: {  	s2 =	sld [smem:$0x3F96];
	s0 =	simm.s32 @p1 $0x1  }
0x15: {  	[smem:$0x3FB3] =	sst s0;
	s0 =	simm.s32 @!p2 $0x0  }
0x16: {  	s3 =	sld [smem:$0x3FDB];
	s0 =	simm.s32 @p2 $0x1  }
0x17: {  	s4 =	simm.s32 $0x1BF5;
	[smem:$0x3FB5] =	sst s0  }
0x18: {  	s0 =	sld [smem:$0x3F98];
	_ =	swait.ge [sflag:s4], $0x0  }
0x19: {  	s7 =	sld [smem:$0x3F99]  }
0x1a: {  	s8 =	sadd.s32 $0xFFFFE003, lr  }
0x1b: {  	s9 =	sadd.s32 $0xFFFFFEF7, lr;
	s5 =	simm.s32 $0xFFFFFFFF;
	p2 =	slt.u32 s8, $0xFFFFF086  }
0x1c: {  	p1 =	slt.u32 s9, $0xF7A;
	s5 =	simm.s32 @!p2 $0x0  }
0x1d: {  	s5 =	simm.s32 @p1 $0x1;
	p0 =	seq.s32 s7, s2  }
0x1e: {  	s7 =	smul.u32 @!p0 $0xF7A, s2;
	p2 =	seq.s32 @!p0 s5, $0x0  }
0x1f: {  	s9 =	smul.u32 $0xF7A, s1;
	s8 =	simm.s32 @!p0 $0x1BF5;
	p2 =	por !p2, p0  }
0x20: {  	[sflag:s8] =	ssyncset.s32 @!p0 $0xFFFFF086;
	s6 =	sadd.s32 @!p0 s3, s7;
	s7 =	simm.s32 @!p0 $0x108  }
0x21: {  	s3 =	sadd.s32 s3, s9;
	s6 =	sadd.s32 @!p0 $0x88, s6;
	s7 =	simm.s32 @p2 $0x1082  }
0x22: {  	[simem:s7], [sflag:s8] =	dma.local @!p0 [hbm:s6], $0xF7A  }
0x23: {  	s9 =	sor.u32 $0xD0000000, s2;
	s6 =	simm.s32 $0x108;
	_ =	swait.ge @!p0 [sflag:s8], $0x0  }
0x24: {  	s3 =	sadd.s32 $0x88, s3;
	s6 =	simm.s32 @!p1 $0x1082;
	[sflag:s4] =	ssyncset.s32 $0xFFFFF086  }
0x25: {  	[simem:s6], [sflag:s4] =	dma.local [hbm:s3], $0xF7A  }
0x26: {  	[smem:$0x3F99] =	sst s1;
	(tag) =	ssettag s2;
	_ =	strace s9  }
0x27: {  	s1 =	sld [smem:$0x3FA9]  }
0x28: {  	s2 =	sld [smem:$0x3FAA]  }
0x29: {  	s4 =	sld [smem:$0x3FAC]  }
0x2a: {  	p0 =	seq.s32 s5, $0x0;
	s5 =	sld [smem:$0x3FAD]  }
0x2b: {  	s6 =	sld [smem:$0x3FAE]  }
0x2c: {  	s7 =	sld [smem:$0x3FAF]  }
0x2d: {  	s3 =	simm.s32 $0x108;
	s8 =	sld [smem:$0x3FB0]  }
0x2e: {  	s3 =	simm.s32 @!p0 $0x1082;
	s9 =	sld [smem:$0x3FB1]  }
0x2f: {  	lr =	sadd.s32 s0, s3;
	s0 =	sld [smem:$0x3FA8]  }
0x30: {  	s3 =	sld [smem:$0x3FAB]  }
0x31: {  	[smem:$0x3FB4] =	sst s10  }
0x32: {  	s10 =	sld [smem:$0x3FB2];
	_ =	sdelay $0x3  }
0x33: {  	p0 =	seq.s32 s10, $0x1;
	s10 =	sld [smem:$0x3FB4];
	_ =	sdelay $0x3  }
0x34: {  	[smem:$0x3FB4] =	sst s10  }
0x35: {  	s10 =	sld [smem:$0x3FB3];
	_ =	sdelay $0x3  }
0x36: {  	p1 =	seq.s32 s10, $0x1;
	s10 =	sld [smem:$0x3FB4];
	_ =	sdelay $0x3  }
0x37: {  	[smem:$0x3FB4] =	sst s10  }
0x38: {  	s10 =	sld [smem:$0x3FB5]  }
0x39: {  	_ = 	snop;
	(pc) =	sbr.ind lr, $3  }
0x3a: {  	_ = 	snop  }
0x3b: {  	_ = 	snop  }
0x3c: {  	p2 =	seq.s32 s10, $0x1;
	s10 =	sld [smem:$0x3FB4]  }
0x3d: {  	_ =	shalt  }
0x3e: {  	_ =	shalt  }
0x3f: {  	_ =	shalt  }
0x40: {  	_ =	shalt  }
0x41: {  	_ =	shalt  }
0x42: {  	_ =	shalt  }
0x43: {  	_ =	shalt  }
0x44: {  	_ =	shalt  }
0x45: {  	_ =	shalt  }
0x46: {  	_ =	shalt  }
0x47: {  	_ =	shalt  }
0x48: {  	_ =	shalt  }
0x49: {  	_ =	shalt  }
0x4a: {  	_ =	shalt  }
0x4b: {  	_ =	shalt  }
0x4c: {  	_ =	shalt  }
0x4d: {  	_ =	shalt  }
0x4e: {  	_ =	shalt  }
0x4f: {  	_ =	shalt  }
0x50: {  	_ =	shalt  }
0x51: {  	_ =	shalt  }
0x52: {  	_ =	shalt  }
0x53: {  	_ =	shalt  }
0x54: {  	_ =	shalt  }
0x55: {  	_ =	shalt  }
0x56: {  	_ =	shalt  }
0x57: {  	_ =	shalt  }
0x58: {  	_ =	shalt  }
0x59: {  	_ =	shalt  }
0x5a: {  	_ =	shalt  }
0x5b: {  	_ =	shalt  }
0x5c: {  	_ =	shalt  }
0x5d: {  	_ =	shalt  }
0x5e: {  	_ =	shalt  }
0x5f: {  	_ =	shalt  }
0x60: {  	_ =	shalt  }
0x61: {  	_ =	shalt  }
0x62: {  	_ =	shalt  }
0x63: {  	_ =	shalt  }
0x64: {  	_ =	shalt  }
0x65: {  	_ =	shalt  }
0x66: {  	_ =	shalt  }
0x67: {  	_ =	shalt  }
0x68: {  	_ =	shalt  }
0x69: {  	_ =	shalt  }
0x6a: {  	_ =	shalt  }
0x6b: {  	_ =	shalt  }
0x6c: {  	_ =	shalt  }
0x6d: {  	_ =	shalt  }
0x6e: {  	_ =	shalt  }
0x6f: {  	_ =	shalt  }
0x70: {  	_ =	shalt  }
0x71: {  	_ =	shalt  }
0x72: {  	_ =	shalt  }
0x73: {  	_ =	shalt  }
0x74: {  	_ =	shalt  }
0x75: {  	_ =	shalt  }
0x76: {  	_ =	shalt  }
0x77: {  	_ =	shalt  }
0x78: {  	_ =	shalt  }
0x79: {  	_ =	shalt  }
0x7a: {  	_ =	shalt  }
0x7b: {  	_ =	shalt  }
0x7c: {  	_ =	shalt  }
0x7d: {  	_ =	shalt  }
0x7e: {  	_ =	shalt  }
0x7f: {  	_ =	shalt  }
0x80: {  	_ =	shalt  }
0x81: {  	_ =	shalt  }
0x82: {  	_ =	shalt  }
0x83: {  	_ =	shalt  }
0x84: {  	_ =	shalt  }
0x85: {  	_ =	shalt  }
0x86: {  	_ =	shalt  }
0x87: {  	_ =	shalt  }
.Lfunc_end0:
.L_simem_size_0:
called_computation.1_lowered:
.L_overlay_start_0:
0x88: {  	s2 =	sld [smem:$0x3FD9]  }
0x89: {  	s3 =	sld [smem:$0x3FFE];
	_ =	sdelay $0x1  }
0x8a: {  	s1 =	srdreg.scid  }
0x8b: {  	s0 =	sand.u32 $0x1, s1  }
0x8c: {  	s14 =	sshll.u32 s0, $0xA;
	s2 =	sadd.s32 s3, s2  }
0x8d: {  	s2 =	sadd.s32 s2, s14  }
0x8e: {  	[smem:$0x3FC0] =	sst s2  }
0x8f: {  	_ = 	snop  }
0x90: {  	s2 =	sld [smem:$0x3FD0];
	_ =	sdelay $0x2  }
0x91: {  	s15 =	simm.s32 $0xA;
	s4 =	simm.s32 $0x10  }
0x92: {  	[smem:s4], [sflag:s15] =	dma.local [hbm:s2], $0x1  }
0x93: {  	_ =	swait.eq [sflag:s15], $0x1  }
0x94: {  	[sflag:s15] =	ssyncset.done $0x0  }
0x95: {  	[sflag:s15] =	ssyncadd.s32 $0xFFFFFFFF  }
0x96: {  	s16 =	sld [smem:$0x10];
	(tm) =	ssettm $0x1  }
0x97: {  	s17 =	sld [smem:$0x3FFB];
	_ =	sdelay $0x3  }
0x98: {  	_ =	strace s17  }
0x99: {  	s3 =	sld [smem:$0x3FFC];
	_ =	sdelay $0x3  }
0x9a: {  	_ =	strace s3  }
0x9b: {  	s3 =	sld [smem:$0x3FFD];
	_ =	sdelay $0x3  }
0x9c: {  	_ =	strace s3  }
0x9d: {  	_ =	strace $0x8FFFFFFF  }
0x9e: {  	s18 =	sld [smem:$0x3FDB];
	_ =	sdelay $0x1  }
0x9f: {  	s19 =	simm.s32 $_scs_section_size  }
0xa0: {  	s5 =	simm.s32 $_size__tile_overlayer_lowered;
	s6 =	simm.s32 $_tile_overlayer_lowered  }
0xa1: {  	s22 =	simm.s32 $0x1BFF;
	s21 =	sshll.u32 s6, $0x1;
	s3 =	sadd.s32 s19, s18  }
0xa2: {  	s7 =	simm.s32 $0x0;
	s20 =	sshll.u32 s5, $0x1;
	s5 =	sadd.s32 s21, s3  }
0xa3: {  	[timem:s7], [sflag:s22] =	dma.local [hbm:s5], s20  }
0xa4: {  	_ =	swait.ge [sflag:s22], s20  }
0xa5: {  	s4 =	ssub.s32 $0x0, s20;
	[sflag:s22] =	ssyncset.done $0x0  }
0xa6: {  	[sflag:s22] =	ssyncadd.s32 s4;
	_ =	sdelay $0x1  }
0xa7: {  	s23 =	simm.s32 $0x1B8B  }
0xa8: {  	_ =	swait.ge [sflag:s23], $0x1  }
0xa9: {  	[sflag:s23] =	ssyncset.done $0x0  }
0xaa: {  	s25 =	simm.s32 $0x1B8E;
	s24 =	sld [smem:$0x3FFE];
	[sflag:s23] =	ssyncadd.s32 $0xFFFFFFFF  }
0xab: {  	s26 =	simm.s32 $execute0_lowered;
	[smem:$0x3FD2] =	sst s25  }
0xac: {  	s5 =	sshll.u32 s26, $0x1;
	_ =	strace $0x80000049;
	[dreg:$0x1] =	wrdreg $0xFFFFFFFF  }
0xad: {  	s28 =	simm.s32 $_size_execute0_lowered;
	s3 =	sadd.s32 s3, s5;
	[dreg:$0x0] =	wrdreg $0x0  }
0xae: {  	s5 =	sshll.u32 s28, $0x1;
	[dreg:$0x2] =	wrdreg s3  }
0xaf: {  	[dreg:$0x3] =	wrdreg s5  }
0xb0: {  	[dreg:$0x4] =	wrdreg $0xC0  }
0xb1: {  	_ =	task [dreg:s7], $0x5FFFF  }
0xb2: {  	[dreg:$0x1] =	wrdreg $0xFFFFFFFF  }
0xb3: {  	[dreg:$0x0] =	wrdreg $0x60  }
0xb4: {  	[dreg:$0x2] =	wrdreg s24  }
0xb5: {  	[dreg:$0x3] =	wrdreg s16  }
0xb6: {  	[dreg:$0x4] =	wrdreg $0x9  }
0xb7: {  	_ =	task.clear_ibuf [dreg:s7], $0x5FFFF;
	_ =	strace $0x90000049  }
0xb8: {  	s29 =	simm.s32 $0x9;
	_ =	strace $0x8000004B  }
0xb9: {  	_ =	swait.ge [sflag:s29], $0x1  }
0xba: {  	[sflag:s29] =	ssyncadd.s32 $0xFFFFFFFF  }
0xbb: {  	_ =	strace $0x9000004B  }
0xbc: {  	_ =	sfence  }
0xbd: {  	s30 =	sld [smem:$0x0];
	_ =	sdelay $0x2  }
0xbe: {  	s31 =	sshll.u32 s1, $0xD;
	s1 =	sshrl.u32 s1, $0x2  }
0xbf: {  	s3 =	sand.u32 $0x4000, s31;
	s1 =	sadd.s32 s1, s30  }
0xc0: {  	s0 =	sor.u32 s3, s0;
	s1 =	sshll.u32 s1, $0x11  }
0xc1: {  	s0 =	sor.u32 s1, s0  }
0xc2: {  	s0 =	sadd.s32 $0x8F2B, s0  }
0xc3: {  	[sflag:s0] =	ssyncadd.remote.s32 $0x1  }
0xc4: {  	_ =	sfence.sel $0xFFFF  }
0xc5: {  	[dreg:$0x0] =	wrdreg $0xFFFFFFFF;
	(pc) =	sbr.abs _section_cstart, $3  }
0xc6: {  	[dreg:$0x1] =	wrdreg $0xFFFFFFFF  }
0xc7: {  	_ =	task.clear_ibuf [dreg:s7], $0x2FFFF;
	_ =	strace $0x9FFFFFFF  }
0xc8: {  	(tm) =	ssettm $0x7FFFFFFF  }
0xc9: {  	_ =	shalt  }
tec
execute0_lowered:
.L_overlay_start_1:
0x0: {  	(tag) =	ssettag $0x1  }
0x1: {  	s0 =	rddreg [dreg:$0x0]  }
0x2: {  	s1 =	rddreg [dreg:$0x1];
	s3 =	srdreg.scid  }
0x3: {  	s2 =	simm.s32 $0x0;
	s5 =	stileid.u32;
	s10 =	simm.s32 $0x880  }
0x4: {  	s11 =	simm.s32 $0x1080;
	s12 =	simm.s32 $0x1880;
	s13 =	simm.s32 $0x2080  }
0x5: {  	s14 =	simm.s32 $0x2880;
	s15 =	simm.s32 $0x3080;
	s16 =	simm.s32 $0x3880  }
0x6: {  	s17 =	simm.s32 $0x4080;
	s18 =	simm.s32 $0x4880;
	s19 =	simm.s32 $0x5080  }
0x7: {  	s20 =	simm.s32 $0x5880;
	s21 =	simm.s32 $0x6080;
	s22 =	simm.s32 $0x6880  }
0x8: {  	s28 =	simm.s32 $0x9080;
	s29 =	simm.s32 $0x9880;
	s30 =	simm.s32 $0xA080  }
0x9: {  	s31 =	simm.s32 $0xA880;
	s4 =	sand.u32 $0x1, s3;
	[smem:$0x7FF] =	sst s2  }
0xa: {  	s23 =	sshll.u32 s5, $0x6;
	s3 =	sadd.s32 $0xF5600, s0;
	s6 =	sadd.s32 $0x1400, s0  }
0xb: {  	s24 =	sshll.u32 s4, $0x5;
	_ =	strace $0x8000004A;
	s4 =	ssub.s32 $0x2, s4  }
0xc: {  	s5 =	sor.u32 s24, s23;
	s9 =	sshrl.u32 s4, $0x1;
	s23 =	simm.s32 $0x7080  }
0xd: {  	s24 =	simm.s32 $0x7880;
	s7 =	smul.u32 $0x300, s5;
	s8 =	sadd.s32 s6, s5  }
0xe: {  	s5 =	sor.u32 $0x10, s5;
	s26 =	ssub.s32 s4, s9;
	s4 =	sadd.s32 $0xF5700, s0  }
0xf: {  	[dreg:$0x3] =	wrdreg s8;
	s25 =	smul.u32 $0x300, s5;
	s5 =	sadd.s32 s6, s5  }
0x10: {  	s6 =	smax.u32 s26, $0x1;
	s26 =	simm.s32 $0x8880;
	s8 =	simm.s32 $0xB880  }
0x11: {  	v2 =	vlaneseq.u32;
	s7 =	sadd.s32 s1, s7;
	[dreg:$0x5] =	wrdreg s5;
	s5 =	sadd.s32 $0xF5800, s0  }
0x12: {  	vm0 =	vmmov $0xffff;
	v1 =	vshrl.u32 v2, $0x3;
	[dreg:$0x4] =	wrdreg s7;
	s1 =	sadd.s32 s1, s25;
	s7 =	simm.s32 $0x2  }
0x13: {  	v0 =	vand.u32 $0x7, v2;
	v2 =	vor.u32 $0x8, v2;
	v1 =	vmul.u32 $0x8, v1;
	s25 =	simm.s32 $0x8080;
	[dreg:$0x6] =	wrdreg s1;
	s1 =	simm.s32 $0x1  }
.LBB2_1:
0x14: {  	s9 =	rddreg [dreg:$0x3]  }
0x15: {  	[tilespmem:s2], [sflag:$0x2] =	stream.linear.gather [hbm4b:s9+s2], $0x80, $0x38;
	[tilespmem:$0x18080] =	vst v63  }
0x16: {  	_ =	swait.ge [sflag:s7], $0x80  }
0x17: {  	[sflag:s7] =	ssyncset.done $0x0  }
0x18: {  	[sflag:s7] =	ssyncadd.s32 $0xFFFFFF80  }
0x19: {  	v3 =	vld [tilespmem:$0x0];
	_ =	sdelay $0x4  }
0x1a: {  	v4 =	vshrl.u32 v3, $0x3  }
0x1b: {  	v4 =	vmul.u32 $0x30, v4  }
0x1c: {  	v3 =	vand.u32 $0x7, v3  }
0x1d: {  	v3 =	vor.u32 v3, v4  }
0x1e: {  	v4 =	vperm.xlane v3, v0;
	_ =	sdelay $0x1  }
0x1f: {  	v4 =	vadd.s32 v1, v4;
	_ =	sdelay $0x3  }
0x20: {  	s0 =	simm.s32 $0x80;
	v3 =	vperm.xlane v3, v2  }
0x21: {  	[tilespmem:s0], [sflag:$0x1] =	stream.indirect_vreg.gather [hbm4b:s3+s2], $0x80, v4, vm0, $0xb8;
	[tilespmem:$0x18080] =	vst v63  }
0x22: {  	v3 =	vadd.s32 v1, v3  }
0x23: {  	[tilespmem:s10], [sflag:$0x1] =	stream.indirect_vreg.gather [hbm4b:s4+s2], $0x80, v4, vm0, $0xb8;
	[tilespmem:$0x18080] =	vst v63  }
0x24: {  	_ = 	snop  }
0x25: {  	[tilespmem:s11], [sflag:$0x1] =	stream.indirect_vreg.gather [hbm4b:s5+s2], $0x80, v4, vm0, $0xb8;
	[tilespmem:$0x18080] =	vst v63  }
0x26: {  	_ = 	snop  }
0x27: {  	[tilespmem:s12], [sflag:$0x1] =	stream.indirect_vreg.gather [hbm4b:s3+s2], $0x80, v3, vm0, $0xb8;
	[tilespmem:$0x18080] =	vst v63  }
0x28: {  	_ = 	snop  }
0x29: {  	[tilespmem:s13], [sflag:$0x1] =	stream.indirect_vreg.gather [hbm4b:s4+s2], $0x80, v3, vm0, $0xb8;
	[tilespmem:$0x18080] =	vst v63  }
0x2a: {  	_ = 	snop  }
0x2b: {  	[tilespmem:s14], [sflag:$0x1] =	stream.indirect_vreg.gather [hbm4b:s5+s2], $0x80, v3, vm0, $0xb8;
	[tilespmem:$0x18080] =	vst v63  }
0x2c: {  	v3 =	vld [tilespmem:$0x10];
	_ =	sdelay $0x4  }
0x2d: {  	v49 =	vshrl.u32 v3, $0x3  }
0x2e: {  	v4 =	vmul.u32 $0x30, v49  }
0x2f: {  	v3 =	vand.u32 $0x7, v3  }
0x30: {  	v3 =	vor.u32 v3, v4  }
0x31: {  	v4 =	vperm.xlane v3, v0;
	_ =	sdelay $0x1  }
0x32: {  	v4 =	vadd.s32 v1, v4;
	_ =	sdelay $0x3  }
0x33: {  	v3 =	vperm.xlane v3, v2  }
0x34: {  	[tilespmem:s15], [sflag:$0x1] =	stream.indirect_vreg.gather [hbm4b:s3+s2], $0x80, v4, vm0, $0xb8;
	[tilespmem:$0x18080] =	vst v63  }
0x35: {  	v3 =	vadd.s32 v1, v3  }
0x36: {  	[tilespmem:s16], [sflag:$0x1] =	stream.indirect_vreg.gather [hbm4b:s4+s2], $0x80, v4, vm0, $0xb8;
	[tilespmem:$0x18080] =	vst v63  }
0x37: {  	_ = 	snop  }
0x38: {  	[tilespmem:s17], [sflag:$0x1] =	stream.indirect_vreg.gather [hbm4b:s5+s2], $0x80, v4, vm0, $0xb8;
	[tilespmem:$0x18080] =	vst v63  }
0x39: {  	_ = 	snop  }
0x3a: {  	[tilespmem:s18], [sflag:$0x1] =	stream.indirect_vreg.gather [hbm4b:s3+s2], $0x80, v3, vm0, $0xb8;
	[tilespmem:$0x18080] =	vst v63  }
0x3b: {  	_ = 	snop  }
0x3c: {  	[tilespmem:s19], [sflag:$0x1] =	stream.indirect_vreg.gather [hbm4b:s4+s2], $0x80, v3, vm0, $0xb8;
	[tilespmem:$0x18080] =	vst v63  }
0x3d: {  	_ = 	snop  }
0x3e: {  	[tilespmem:s20], [sflag:$0x1] =	stream.indirect_vreg.gather [hbm4b:s5+s2], $0x80, v3, vm0, $0xb8;
	[tilespmem:$0x18080] =	vst v63  }
0x3f: {  	v3 =	vld [tilespmem:$0x20];
	_ =	sdelay $0x4  }
0x40: {  	v50 =	vshrl.u32 v3, $0x3  }
0x41: {  	v4 =	vmul.u32 $0x30, v50  }
0x42: {  	v3 =	vand.u32 $0x7, v3  }
0x43: {  	v3 =	vor.u32 v3, v4  }
0x44: {  	v4 =	vperm.xlane v3, v0;
	_ =	sdelay $0x1  }
0x45: {  	v4 =	vadd.s32 v1, v4;
	_ =	sdelay $0x3  }
0x46: {  	v3 =	vperm.xlane v3, v2  }
0x47: {  	[tilespmem:s21], [sflag:$0x1] =	stream.indirect_vreg.gather [hbm4b:s3+s2], $0x80, v4, vm0, $0xb8;
	[tilespmem:$0x18080] =	vst v63  }
0x48: {  	v3 =	vadd.s32 v1, v3  }
0x49: {  	[tilespmem:s22], [sflag:$0x1] =	stream.indirect_vreg.gather [hbm4b:s4+s2], $0x80, v4, vm0, $0xb8;
	[tilespmem:$0x18080] =	vst v63  }
0x4a: {  	_ = 	snop  }
0x4b: {  	[tilespmem:s23], [sflag:$0x1] =	stream.indirect_vreg.gather [hbm4b:s5+s2], $0x80, v4, vm0, $0xb8;
	[tilespmem:$0x18080] =	vst v63  }
0x4c: {  	_ = 	snop  }
0x4d: {  	[tilespmem:s24], [sflag:$0x1] =	stream.indirect_vreg.gather [hbm4b:s3+s2], $0x80, v3, vm0, $0xb8;
	[tilespmem:$0x18080] =	vst v63  }
0x4e: {  	_ = 	snop  }
0x4f: {  	[tilespmem:s25], [sflag:$0x1] =	stream.indirect_vreg.gather [hbm4b:s4+s2], $0x80, v3, vm0, $0xb8;
	[tilespmem:$0x18080] =	vst v63  }
0x50: {  	_ = 	snop  }
0x51: {  	[tilespmem:s26], [sflag:$0x1] =	stream.indirect_vreg.gather [hbm4b:s5+s2], $0x80, v3, vm0, $0xb8;
	[tilespmem:$0x18080] =	vst v63  }
0x52: {  	v3 =	vld [tilespmem:$0x30];
	_ =	sdelay $0x4  }
0x53: {  	v51 =	vshrl.u32 v3, $0x3  }
0x54: {  	v4 =	vmul.u32 $0x30, v51  }
0x55: {  	v3 =	vand.u32 $0x7, v3  }
0x56: {  	v3 =	vor.u32 v3, v4  }
0x57: {  	v4 =	vperm.xlane v3, v0;
	_ =	sdelay $0x1  }
0x58: {  	v4 =	vadd.s32 v1, v4;
	_ =	sdelay $0x3  }
0x59: {  	v3 =	vperm.xlane v3, v2  }
0x5a: {  	[tilespmem:s28], [sflag:$0x1] =	stream.indirect_vreg.gather [hbm4b:s3+s2], $0x80, v4, vm0, $0xb8;
	[tilespmem:$0x18080] =	vst v63  }
0x5b: {  	v3 =	vadd.s32 v1, v3  }
0x5c: {  	[tilespmem:s29], [sflag:$0x1] =	stream.indirect_vreg.gather [hbm4b:s4+s2], $0x80, v4, vm0, $0xb8;
	[tilespmem:$0x18080] =	vst v63  }
0x5d: {  	_ = 	snop  }
0x5e: {  	[tilespmem:s30], [sflag:$0x1] =	stream.indirect_vreg.gather [hbm4b:s5+s2], $0x80, v4, vm0, $0xb8;
	[tilespmem:$0x18080] =	vst v63  }
0x5f: {  	_ = 	snop  }
0x60: {  	[tilespmem:s31], [sflag:$0x1] =	stream.indirect_vreg.gather [hbm4b:s3+s2], $0x80, v3, vm0, $0xb8;
	[tilespmem:$0x18080] =	vst v63  }
0x61: {  	s9 =	simm.s32 $0xB080  }
0x62: {  	[tilespmem:s9], [sflag:$0x1] =	stream.indirect_vreg.gather [hbm4b:s4+s2], $0x80, v3, vm0, $0xb8;
	[tilespmem:$0x18080] =	vst v63  }
0x63: {  	_ = 	snop  }
0x64: {  	[tilespmem:s8], [sflag:$0x1] =	stream.indirect_vreg.gather [hbm4b:s5+s2], $0x80, v3, vm0, $0xb8;
	[tilespmem:$0x18080] =	vst v63  }
0x65: {  	v3 =	vld [tilespmem:$0x40];
	_ =	sdelay $0x4  }
0x66: {  	v52 =	vshrl.u32 v3, $0x3  }
0x67: {  	v4 =	vmul.u32 $0x30, v52  }
0x68: {  	v3 =	vand.u32 $0x7, v3  }
0x69: {  	v3 =	vor.u32 v3, v4  }
0x6a: {  	v4 =	vperm.xlane v3, v0;
	_ =	sdelay $0x1  }
0x6b: {  	v4 =	vadd.s32 v1, v4;
	_ =	sdelay $0x3  }
0x6c: {  	s9 =	simm.s32 $0xC080;
	v3 =	vperm.xlane v3, v2  }
0x6d: {  	[tilespmem:s9], [sflag:$0x1] =	stream.indirect_vreg.gather [hbm4b:s3+s2], $0x80, v4, vm0, $0xb8;
	[tilespmem:$0x18080] =	vst v63  }
0x6e: {  	v3 =	vadd.s32 v1, v3;
	s9 =	simm.s32 $0xC880  }
0x6f: {  	[tilespmem:s9], [sflag:$0x1] =	stream.indirect_vreg.gather [hbm4b:s4+s2], $0x80, v4, vm0, $0xb8;
	[tilespmem:$0x18080] =	vst v63  }
0x70: {  	s9 =	simm.s32 $0xD080  }
0x71: {  	[tilespmem:s9], [sflag:$0x1] =	stream.indirect_vreg.gather [hbm4b:s5+s2], $0x80, v4, vm0, $0xb8;
	[tilespmem:$0x18080] =	vst v63  }
0x72: {  	s9 =	simm.s32 $0xD880  }
0x73: {  	[tilespmem:s9], [sflag:$0x1] =	stream.indirect_vreg.gather [hbm4b:s3+s2], $0x80, v3, vm0, $0xb8;
	[tilespmem:$0x18080] =	vst v63  }
0x74: {  	s9 =	simm.s32 $0xE080  }
0x75: {  	[tilespmem:s9], [sflag:$0x1] =	stream.indirect_vreg.gather [hbm4b:s4+s2], $0x80, v3, vm0, $0xb8;
	[tilespmem:$0x18080] =	vst v63  }
0x76: {  	s9 =	simm.s32 $0xE880  }
0x77: {  	[tilespmem:s9], [sflag:$0x1] =	stream.indirect_vreg.gather [hbm4b:s5+s2], $0x80, v3, vm0, $0xb8;
	[tilespmem:$0x18080] =	vst v63  }
0x78: {  	v3 =	vld [tilespmem:$0x50];
	_ =	sdelay $0x4  }
0x79: {  	v53 =	vshrl.u32 v3, $0x3  }
0x7a: {  	v4 =	vmul.u32 $0x30, v53  }
0x7b: {  	v3 =	vand.u32 $0x7, v3  }
0x7c: {  	v3 =	vor.u32 v3, v4  }
0x7d: {  	v4 =	vperm.xlane v3, v0;
	_ =	sdelay $0x1  }
0x7e: {  	v4 =	vadd.s32 v1, v4;
	_ =	sdelay $0x3  }
0x7f: {  	s9 =	simm.s32 $0xF080;
	v3 =	vperm.xlane v3, v2  }
0x80: {  	[tilespmem:s9], [sflag:$0x1] =	stream.indirect_vreg.gather [hbm4b:s3+s2], $0x80, v4, vm0, $0xb8;
	[tilespmem:$0x18080] =	vst v63  }
0x81: {  	v3 =	vadd.s32 v1, v3;
	s9 =	simm.s32 $0xF880  }
0x82: {  	[tilespmem:s9], [sflag:$0x1] =	stream.indirect_vreg.gather [hbm4b:s4+s2], $0x80, v4, vm0, $0xb8;
	[tilespmem:$0x18080] =	vst v63  }
0x83: {  	s9 =	simm.s32 $0x10080  }
0x84: {  	[tilespmem:s9], [sflag:$0x1] =	stream.indirect_vreg.gather [hbm4b:s5+s2], $0x80, v4, vm0, $0xb8;
	[tilespmem:$0x18080] =	vst v63  }
0x85: {  	s9 =	simm.s32 $0x10880  }
0x86: {  	[tilespmem:s9], [sflag:$0x1] =	stream.indirect_vreg.gather [hbm4b:s3+s2], $0x80, v3, vm0, $0xb8;
	[tilespmem:$0x18080] =	vst v63  }
0x87: {  	s9 =	simm.s32 $0x11080  }
0x88: {  	[tilespmem:s9], [sflag:$0x1] =	stream.indirect_vreg.gather [hbm4b:s4+s2], $0x80, v3, vm0, $0xb8;
	[tilespmem:$0x18080] =	vst v63  }
0x89: {  	s9 =	simm.s32 $0x11880  }
0x8a: {  	[tilespmem:s9], [sflag:$0x1] =	stream.indirect_vreg.gather [hbm4b:s5+s2], $0x80, v3, vm0, $0xb8;
	[tilespmem:$0x18080] =	vst v63  }
0x8b: {  	v3 =	vld [tilespmem:$0x60];
	_ =	sdelay $0x4  }
0x8c: {  	v54 =	vshrl.u32 v3, $0x3  }
0x8d: {  	v4 =	vmul.u32 $0x30, v54  }
0x8e: {  	v3 =	vand.u32 $0x7, v3  }
0x8f: {  	v3 =	vor.u32 v3, v4  }
0x90: {  	v4 =	vperm.xlane v3, v0;
	_ =	sdelay $0x1  }
0x91: {  	v4 =	vadd.s32 v1, v4;
	_ =	sdelay $0x3  }
0x92: {  	s9 =	simm.s32 $0x12080;
	v3 =	vperm.xlane v3, v2  }
0x93: {  	[tilespmem:s9], [sflag:$0x1] =	stream.indirect_vreg.gather [hbm4b:s3+s2], $0x80, v4, vm0, $0xb8;
	[tilespmem:$0x18080] =	vst v63  }
0x94: {  	v3 =	vadd.s32 v1, v3;
	s9 =	simm.s32 $0x12880  }
0x95: {  	[tilespmem:s9], [sflag:$0x1] =	stream.indirect_vreg.gather [hbm4b:s4+s2], $0x80, v4, vm0, $0xb8;
	[tilespmem:$0x18080] =	vst v63  }
0x96: {  	s9 =	simm.s32 $0x13080  }
0x97: {  	[tilespmem:s9], [sflag:$0x1] =	stream.indirect_vreg.gather [hbm4b:s5+s2], $0x80, v4, vm0, $0xb8;
	[tilespmem:$0x18080] =	vst v63  }
0x98: {  	s9 =	simm.s32 $0x13880  }
0x99: {  	[tilespmem:s9], [sflag:$0x1] =	stream.indirect_vreg.gather [hbm4b:s3+s2], $0x80, v3, vm0, $0xb8;
	[tilespmem:$0x18080] =	vst v63  }
0x9a: {  	s9 =	simm.s32 $0x14080  }
0x9b: {  	[tilespmem:s9], [sflag:$0x1] =	stream.indirect_vreg.gather [hbm4b:s4+s2], $0x80, v3, vm0, $0xb8;
	[tilespmem:$0x18080] =	vst v63  }
0x9c: {  	s9 =	simm.s32 $0x14880  }
0x9d: {  	[tilespmem:s9], [sflag:$0x1] =	stream.indirect_vreg.gather [hbm4b:s5+s2], $0x80, v3, vm0, $0xb8;
	[tilespmem:$0x18080] =	vst v63  }
0x9e: {  	v3 =	vld [tilespmem:$0x70];
	_ =	sdelay $0x4  }
0x9f: {  	v55 =	vshrl.u32 v3, $0x3  }
0xa0: {  	v4 =	vmul.u32 $0x30, v55  }
0xa1: {  	v3 =	vand.u32 $0x7, v3  }
0xa2: {  	v3 =	vor.u32 v3, v4  }
0xa3: {  	v4 =	vperm.xlane v3, v0;
	_ =	sdelay $0x1  }
0xa4: {  	v4 =	vadd.s32 v1, v4;
	_ =	sdelay $0x3  }
0xa5: {  	s9 =	simm.s32 $0x15080;
	v3 =	vperm.xlane v3, v2  }
0xa6: {  	[tilespmem:s9], [sflag:$0x1] =	stream.indirect_vreg.gather [hbm4b:s3+s2], $0x80, v4, vm0, $0xb8;
	[tilespmem:$0x18080] =	vst v63  }
0xa7: {  	v3 =	vadd.s32 v1, v3;
	s9 =	simm.s32 $0x15880  }
0xa8: {  	[tilespmem:s9], [sflag:$0x1] =	stream.indirect_vreg.gather [hbm4b:s4+s2], $0x80, v4, vm0, $0xb8;
	[tilespmem:$0x18080] =	vst v63  }
0xa9: {  	s9 =	simm.s32 $0x16080  }
0xaa: {  	[tilespmem:s9], [sflag:$0x1] =	stream.indirect_vreg.gather [hbm4b:s5+s2], $0x80, v4, vm0, $0xb8;
	[tilespmem:$0x18080] =	vst v63  }
0xab: {  	s9 =	simm.s32 $0x16880  }
0xac: {  	[tilespmem:s9], [sflag:$0x1] =	stream.indirect_vreg.gather [hbm4b:s3+s2], $0x80, v3, vm0, $0xb8;
	[tilespmem:$0x18080] =	vst v63  }
0xad: {  	s9 =	simm.s32 $0x17080  }
0xae: {  	[tilespmem:s9], [sflag:$0x1] =	stream.indirect_vreg.gather [hbm4b:s4+s2], $0x80, v3, vm0, $0xb8;
	[tilespmem:$0x18080] =	vst v63  }
0xaf: {  	s9 =	simm.s32 $0x17880  }
0xb0: {  	[tilespmem:s9], [sflag:$0x1] =	stream.indirect_vreg.gather [hbm4b:s5+s2], $0x80, v3, vm0, $0xb8;
	[tilespmem:$0x18080] =	vst v63  }
0xb1: {  	_ =	swait.ge [sflag:s1], $0x18000  }
0xb2: {  	[sflag:s1] =	ssyncset.done $0x0  }
0xb3: {  	s0 =	simm.s32 $0x80;
	s9 =	rddreg [dreg:$0x4];
	[sflag:s1] =	ssyncadd.s32 $0xFFFE8000  }
0xb4: {  	[hbm4b:s9+s2] =	stream.linear.scatter [tilespmem:s0], [sflag:$0x2], $0x18000, $0x38;
	[tilespmem:$0x18080] =	vst v63  }
0xb5: {  	_ =	swait.ge [sflag:s7], $0x18000  }
0xb6: {  	[sflag:s7] =	ssyncset.done $0x0  }
0xb7: {  	s9 =	rddreg [dreg:$0x5];
	[sflag:s7] =	ssyncadd.s32 $0xFFFE8000  }
0xb8: {  	[tilespmem:s2], [sflag:$0x2] =	stream.linear.gather [hbm4b:s9+s2], $0x80, $0x38;
	[tilespmem:$0x18080] =	vst v63  }
0xb9: {  	_ =	swait.ge [sflag:s7], $0x80  }
0xba: {  	[sflag:s7] =	ssyncset.done $0x0  }
0xbb: {  	[sflag:s7] =	ssyncadd.s32 $0xFFFFFF80  }
0xbc: {  	v3 =	vld [tilespmem:$0x0];
	_ =	sdelay $0x4  }
0xbd: {  	v56 =	vshrl.u32 v3, $0x3  }
0xbe: {  	v4 =	vmul.u32 $0x30, v56  }
0xbf: {  	v3 =	vand.u32 $0x7, v3  }
0xc0: {  	v3 =	vor.u32 v3, v4  }
0xc1: {  	v4 =	vperm.xlane v3, v0;
	_ =	sdelay $0x1  }
0xc2: {  	v4 =	vadd.s32 v1, v4;
	_ =	sdelay $0x3  }
0xc3: {  	v3 =	vperm.xlane v3, v2  }
0xc4: {  	[tilespmem:s0], [sflag:$0x1] =	stream.indirect_vreg.gather [hbm4b:s3+s2], $0x80, v4, vm0, $0xb8;
	[tilespmem:$0x18080] =	vst v63  }
0xc5: {  	v3 =	vadd.s32 v1, v3  }
0xc6: {  	[tilespmem:s10], [sflag:$0x1] =	stream.indirect_vreg.gather [hbm4b:s4+s2], $0x80, v4, vm0, $0xb8;
	[tilespmem:$0x18080] =	vst v63  }
0xc7: {  	_ = 	snop  }
0xc8: {  	[tilespmem:s11], [sflag:$0x1] =	stream.indirect_vreg.gather [hbm4b:s5+s2], $0x80, v4, vm0, $0xb8;
	[tilespmem:$0x18080] =	vst v63  }
0xc9: {  	_ = 	snop  }
0xca: {  	[tilespmem:s12], [sflag:$0x1] =	stream.indirect_vreg.gather [hbm4b:s3+s2], $0x80, v3, vm0, $0xb8;
	[tilespmem:$0x18080] =	vst v63  }
0xcb: {  	_ = 	snop  }
0xcc: {  	[tilespmem:s13], [sflag:$0x1] =	stream.indirect_vreg.gather [hbm4b:s4+s2], $0x80, v3, vm0, $0xb8;
	[tilespmem:$0x18080] =	vst v63  }
0xcd: {  	_ = 	snop  }
0xce: {  	[tilespmem:s14], [sflag:$0x1] =	stream.indirect_vreg.gather [hbm4b:s5+s2], $0x80, v3, vm0, $0xb8;
	[tilespmem:$0x18080] =	vst v63  }
0xcf: {  	v3 =	vld [tilespmem:$0x10];
	_ =	sdelay $0x4  }
0xd0: {  	v57 =	vshrl.u32 v3, $0x3  }
0xd1: {  	v4 =	vmul.u32 $0x30, v57  }
0xd2: {  	v3 =	vand.u32 $0x7, v3  }
0xd3: {  	v3 =	vor.u32 v3, v4  }
0xd4: {  	v4 =	vperm.xlane v3, v0;
	_ =	sdelay $0x1  }
0xd5: {  	v4 =	vadd.s32 v1, v4;
	_ =	sdelay $0x3  }
0xd6: {  	v3 =	vperm.xlane v3, v2  }
0xd7: {  	[tilespmem:s15], [sflag:$0x1] =	stream.indirect_vreg.gather [hbm4b:s3+s2], $0x80, v4, vm0, $0xb8;
	[tilespmem:$0x18080] =	vst v63  }
0xd8: {  	v3 =	vadd.s32 v1, v3  }
0xd9: {  	[tilespmem:s16], [sflag:$0x1] =	stream.indirect_vreg.gather [hbm4b:s4+s2], $0x80, v4, vm0, $0xb8;
	[tilespmem:$0x18080] =	vst v63  }
0xda: {  	_ = 	snop  }
0xdb: {  	[tilespmem:s17], [sflag:$0x1] =	stream.indirect_vreg.gather [hbm4b:s5+s2], $0x80, v4, vm0, $0xb8;
	[tilespmem:$0x18080] =	vst v63  }
0xdc: {  	_ = 	snop  }
0xdd: {  	[tilespmem:s18], [sflag:$0x1] =	stream.indirect_vreg.gather [hbm4b:s3+s2], $0x80, v3, vm0, $0xb8;
	[tilespmem:$0x18080] =	vst v63  }
0xde: {  	_ = 	snop  }
0xdf: {  	[tilespmem:s19], [sflag:$0x1] =	stream.indirect_vreg.gather [hbm4b:s4+s2], $0x80, v3, vm0, $0xb8;
	[tilespmem:$0x18080] =	vst v63  }
0xe0: {  	_ = 	snop  }
0xe1: {  	[tilespmem:s20], [sflag:$0x1] =	stream.indirect_vreg.gather [hbm4b:s5+s2], $0x80, v3, vm0, $0xb8;
	[tilespmem:$0x18080] =	vst v63  }
0xe2: {  	v3 =	vld [tilespmem:$0x20];
	_ =	sdelay $0x4  }
0xe3: {  	v58 =	vshrl.u32 v3, $0x3  }
0xe4: {  	v4 =	vmul.u32 $0x30, v58  }
0xe5: {  	v3 =	vand.u32 $0x7, v3  }
0xe6: {  	v3 =	vor.u32 v3, v4  }
0xe7: {  	v4 =	vperm.xlane v3, v0;
	_ =	sdelay $0x1  }
0xe8: {  	v4 =	vadd.s32 v1, v4;
	_ =	sdelay $0x3  }
0xe9: {  	v3 =	vperm.xlane v3, v2  }
0xea: {  	[tilespmem:s21], [sflag:$0x1] =	stream.indirect_vreg.gather [hbm4b:s3+s2], $0x80, v4, vm0, $0xb8;
	[tilespmem:$0x18080] =	vst v63  }
0xeb: {  	v3 =	vadd.s32 v1, v3  }
0xec: {  	[tilespmem:s22], [sflag:$0x1] =	stream.indirect_vreg.gather [hbm4b:s4+s2], $0x80, v4, vm0, $0xb8;
	[tilespmem:$0x18080] =	vst v63  }
0xed: {  	_ = 	snop  }
0xee: {  	[tilespmem:s23], [sflag:$0x1] =	stream.indirect_vreg.gather [hbm4b:s5+s2], $0x80, v4, vm0, $0xb8;
	[tilespmem:$0x18080] =	vst v63  }
0xef: {  	_ = 	snop  }
0xf0: {  	[tilespmem:s24], [sflag:$0x1] =	stream.indirect_vreg.gather [hbm4b:s3+s2], $0x80, v3, vm0, $0xb8;
	[tilespmem:$0x18080] =	vst v63  }
0xf1: {  	_ = 	snop  }
0xf2: {  	[tilespmem:s25], [sflag:$0x1] =	stream.indirect_vreg.gather [hbm4b:s4+s2], $0x80, v3, vm0, $0xb8;
	[tilespmem:$0x18080] =	vst v63  }
0xf3: {  	_ = 	snop  }
0xf4: {  	[tilespmem:s26], [sflag:$0x1] =	stream.indirect_vreg.gather [hbm4b:s5+s2], $0x80, v3, vm0, $0xb8;
	[tilespmem:$0x18080] =	vst v63  }
0xf5: {  	v3 =	vld [tilespmem:$0x30];
	_ =	sdelay $0x4  }
0xf6: {  	v59 =	vshrl.u32 v3, $0x3  }
0xf7: {  	v4 =	vmul.u32 $0x30, v59  }
0xf8: {  	v3 =	vand.u32 $0x7, v3  }
0xf9: {  	v3 =	vor.u32 v3, v4  }
0xfa: {  	v4 =	vperm.xlane v3, v0;
	_ =	sdelay $0x1  }
0xfb: {  	v4 =	vadd.s32 v1, v4;
	_ =	sdelay $0x3  }
0xfc: {  	v3 =	vperm.xlane v3, v2  }
0xfd: {  	[tilespmem:s28], [sflag:$0x1] =	stream.indirect_vreg.gather [hbm4b:s3+s2], $0x80, v4, vm0, $0xb8;
	[tilespmem:$0x18080] =	vst v63  }
0xfe: {  	v3 =	vadd.s32 v1, v3  }
0xff: {  	[tilespmem:s29], [sflag:$0x1] =	stream.indirect_vreg.gather [hbm4b:s4+s2], $0x80, v4, vm0, $0xb8;
	[tilespmem:$0x18080] =	vst v63  }
0x100: {  	_ = 	snop  }
0x101: {  	[tilespmem:s30], [sflag:$0x1] =	stream.indirect_vreg.gather [hbm4b:s5+s2], $0x80, v4, vm0, $0xb8;
	[tilespmem:$0x18080] =	vst v63  }
0x102: {  	_ = 	snop  }
0x103: {  	[tilespmem:s31], [sflag:$0x1] =	stream.indirect_vreg.gather [hbm4b:s3+s2], $0x80, v3, vm0, $0xb8;
	[tilespmem:$0x18080] =	vst v63  }
0x104: {  	s9 =	simm.s32 $0xB080  }
0x105: {  	[tilespmem:s9], [sflag:$0x1] =	stream.indirect_vreg.gather [hbm4b:s4+s2], $0x80, v3, vm0, $0xb8;
	[tilespmem:$0x18080] =	vst v63  }
0x106: {  	_ = 	snop  }
0x107: {  	[tilespmem:s8], [sflag:$0x1] =	stream.indirect_vreg.gather [hbm4b:s5+s2], $0x80, v3, vm0, $0xb8;
	[tilespmem:$0x18080] =	vst v63  }
0x108: {  	v3 =	vld [tilespmem:$0x40];
	_ =	sdelay $0x4  }
0x109: {  	v60 =	vshrl.u32 v3, $0x3  }
0x10a: {  	v4 =	vmul.u32 $0x30, v60  }
0x10b: {  	v3 =	vand.u32 $0x7, v3  }
0x10c: {  	v3 =	vor.u32 v3, v4  }
0x10d: {  	v4 =	vperm.xlane v3, v0;
	_ =	sdelay $0x1  }
0x10e: {  	v4 =	vadd.s32 v1, v4;
	_ =	sdelay $0x3  }
0x10f: {  	s9 =	simm.s32 $0xC080;
	v3 =	vperm.xlane v3, v2  }
0x110: {  	[tilespmem:s9], [sflag:$0x1] =	stream.indirect_vreg.gather [hbm4b:s3+s2], $0x80, v4, vm0, $0xb8;
	[tilespmem:$0x18080] =	vst v63  }
0x111: {  	v3 =	vadd.s32 v1, v3;
	s9 =	simm.s32 $0xC880  }
0x112: {  	[tilespmem:s9], [sflag:$0x1] =	stream.indirect_vreg.gather [hbm4b:s4+s2], $0x80, v4, vm0, $0xb8;
	[tilespmem:$0x18080] =	vst v63  }
0x113: {  	s9 =	simm.s32 $0xD080  }
0x114: {  	[tilespmem:s9], [sflag:$0x1] =	stream.indirect_vreg.gather [hbm4b:s5+s2], $0x80, v4, vm0, $0xb8;
	[tilespmem:$0x18080] =	vst v63  }
0x115: {  	s9 =	simm.s32 $0xD880  }
0x116: {  	[tilespmem:s9], [sflag:$0x1] =	stream.indirect_vreg.gather [hbm4b:s3+s2], $0x80, v3, vm0, $0xb8;
	[tilespmem:$0x18080] =	vst v63  }
0x117: {  	s9 =	simm.s32 $0xE080  }
0x118: {  	[tilespmem:s9], [sflag:$0x1] =	stream.indirect_vreg.gather [hbm4b:s4+s2], $0x80, v3, vm0, $0xb8;
	[tilespmem:$0x18080] =	vst v63  }
0x119: {  	s9 =	simm.s32 $0xE880  }
0x11a: {  	[tilespmem:s9], [sflag:$0x1] =	stream.indirect_vreg.gather [hbm4b:s5+s2], $0x80, v3, vm0, $0xb8;
	[tilespmem:$0x18080] =	vst v63  }
0x11b: {  	v3 =	vld [tilespmem:$0x50];
	_ =	sdelay $0x4  }
0x11c: {  	v61 =	vshrl.u32 v3, $0x3  }
0x11d: {  	v4 =	vmul.u32 $0x30, v61  }
0x11e: {  	v3 =	vand.u32 $0x7, v3  }
0x11f: {  	v3 =	vor.u32 v3, v4  }
0x120: {  	v4 =	vperm.xlane v3, v0;
	_ =	sdelay $0x1  }
0x121: {  	v4 =	vadd.s32 v1, v4;
	_ =	sdelay $0x3  }
0x122: {  	s9 =	simm.s32 $0xF080;
	v3 =	vperm.xlane v3, v2  }
0x123: {  	[tilespmem:s9], [sflag:$0x1] =	stream.indirect_vreg.gather [hbm4b:s3+s2], $0x80, v4, vm0, $0xb8;
	[tilespmem:$0x18080] =	vst v63  }
0x124: {  	v3 =	vadd.s32 v1, v3;
	s9 =	simm.s32 $0xF880  }
0x125: {  	[tilespmem:s9], [sflag:$0x1] =	stream.indirect_vreg.gather [hbm4b:s4+s2], $0x80, v4, vm0, $0xb8;
	[tilespmem:$0x18080] =	vst v63  }
0x126: {  	s9 =	simm.s32 $0x10080  }
0x127: {  	[tilespmem:s9], [sflag:$0x1] =	stream.indirect_vreg.gather [hbm4b:s5+s2], $0x80, v4, vm0, $0xb8;
	[tilespmem:$0x18080] =	vst v63  }
0x128: {  	s9 =	simm.s32 $0x10880  }
0x129: {  	[tilespmem:s9], [sflag:$0x1] =	stream.indirect_vreg.gather [hbm4b:s3+s2], $0x80, v3, vm0, $0xb8;
	[tilespmem:$0x18080] =	vst v63  }
0x12a: {  	s9 =	simm.s32 $0x11080  }
0x12b: {  	[tilespmem:s9], [sflag:$0x1] =	stream.indirect_vreg.gather [hbm4b:s4+s2], $0x80, v3, vm0, $0xb8;
	[tilespmem:$0x18080] =	vst v63  }
0x12c: {  	s9 =	simm.s32 $0x11880  }
0x12d: {  	[tilespmem:s9], [sflag:$0x1] =	stream.indirect_vreg.gather [hbm4b:s5+s2], $0x80, v3, vm0, $0xb8;
	[tilespmem:$0x18080] =	vst v63  }
0x12e: {  	v3 =	vld [tilespmem:$0x60];
	_ =	sdelay $0x4  }
0x12f: {  	v62 =	vshrl.u32 v3, $0x3  }
0x130: {  	v4 =	vmul.u32 $0x30, v62  }
0x131: {  	v3 =	vand.u32 $0x7, v3  }
0x132: {  	v3 =	vor.u32 v3, v4  }
0x133: {  	v4 =	vperm.xlane v3, v0;
	_ =	sdelay $0x1  }
0x134: {  	v4 =	vadd.s32 v1, v4;
	_ =	sdelay $0x3  }
0x135: {  	s9 =	simm.s32 $0x12080;
	v3 =	vperm.xlane v3, v2  }
0x136: {  	[tilespmem:s9], [sflag:$0x1] =	stream.indirect_vreg.gather [hbm4b:s3+s2], $0x80, v4, vm0, $0xb8;
	[tilespmem:$0x18080] =	vst v63  }
0x137: {  	v3 =	vadd.s32 v1, v3;
	s9 =	simm.s32 $0x12880  }
0x138: {  	[tilespmem:s9], [sflag:$0x1] =	stream.indirect_vreg.gather [hbm4b:s4+s2], $0x80, v4, vm0, $0xb8;
	[tilespmem:$0x18080] =	vst v63  }
0x139: {  	s9 =	simm.s32 $0x13080  }
0x13a: {  	[tilespmem:s9], [sflag:$0x1] =	stream.indirect_vreg.gather [hbm4b:s5+s2], $0x80, v4, vm0, $0xb8;
	[tilespmem:$0x18080] =	vst v63  }
0x13b: {  	s9 =	simm.s32 $0x13880  }
0x13c: {  	[tilespmem:s9], [sflag:$0x1] =	stream.indirect_vreg.gather [hbm4b:s3+s2], $0x80, v3, vm0, $0xb8;
	[tilespmem:$0x18080] =	vst v63  }
0x13d: {  	s9 =	simm.s32 $0x14080  }
0x13e: {  	[tilespmem:s9], [sflag:$0x1] =	stream.indirect_vreg.gather [hbm4b:s4+s2], $0x80, v3, vm0, $0xb8;
	[tilespmem:$0x18080] =	vst v63  }
0x13f: {  	s9 =	simm.s32 $0x14880  }
0x140: {  	[tilespmem:s9], [sflag:$0x1] =	stream.indirect_vreg.gather [hbm4b:s5+s2], $0x80, v3, vm0, $0xb8;
	[tilespmem:$0x18080] =	vst v63  }
0x141: {  	v3 =	vld [tilespmem:$0x70];
	_ =	sdelay $0x4  }
0x142: {  	v63 =	vshrl.u32 v3, $0x3  }
0x143: {  	v4 =	vmul.u32 $0x30, v63  }
0x144: {  	v3 =	vand.u32 $0x7, v3  }
0x145: {  	v3 =	vor.u32 v3, v4  }
0x146: {  	v4 =	vperm.xlane v3, v0;
	_ =	sdelay $0x1  }
0x147: {  	v4 =	vadd.s32 v1, v4;
	_ =	sdelay $0x3  }
0x148: {  	s9 =	simm.s32 $0x15080;
	v3 =	vperm.xlane v3, v2  }
0x149: {  	[tilespmem:s9], [sflag:$0x1] =	stream.indirect_vreg.gather [hbm4b:s3+s2], $0x80, v4, vm0, $0xb8;
	[tilespmem:$0x18080] =	vst v63  }
0x14a: {  	v3 =	vadd.s32 v1, v3;
	s9 =	simm.s32 $0x15880  }
0x14b: {  	[tilespmem:s9], [sflag:$0x1] =	stream.indirect_vreg.gather [hbm4b:s4+s2], $0x80, v4, vm0, $0xb8;
	[tilespmem:$0x18080] =	vst v63  }
0x14c: {  	s9 =	simm.s32 $0x16080  }
0x14d: {  	[tilespmem:s9], [sflag:$0x1] =	stream.indirect_vreg.gather [hbm4b:s5+s2], $0x80, v4, vm0, $0xb8;
	[tilespmem:$0x18080] =	vst v63  }
0x14e: {  	s9 =	simm.s32 $0x16880  }
0x14f: {  	[tilespmem:s9], [sflag:$0x1] =	stream.indirect_vreg.gather [hbm4b:s3+s2], $0x80, v3, vm0, $0xb8;
	[tilespmem:$0x18080] =	vst v63  }
0x150: {  	s9 =	simm.s32 $0x17080  }
0x151: {  	[tilespmem:s9], [sflag:$0x1] =	stream.indirect_vreg.gather [hbm4b:s4+s2], $0x80, v3, vm0, $0xb8;
	[tilespmem:$0x18080] =	vst v63  }
0x152: {  	s9 =	simm.s32 $0x17880  }
0x153: {  	[tilespmem:s9], [sflag:$0x1] =	stream.indirect_vreg.gather [hbm4b:s5+s2], $0x80, v3, vm0, $0xb8;
	[tilespmem:$0x18080] =	vst v63  }
0x154: {  	_ =	swait.ge [sflag:s1], $0x18000  }
0x155: {  	p0 =	sne.s32 s6, $0x1;
	s0 =	simm.s32 $0x80;
	[sflag:s1] =	ssyncset.done $0x0  }
.Ltmp0:
0x156: {  	s9 =	rddreg [dreg:$0x6];
	[sflag:s1] =	ssyncadd.s32 $0xFFFE8000;
	(pc) =	sbr.rel @p0 .LBB2_1-.Ltmp0, $4  }
0x157: {  	[hbm4b:s9+s2] =	stream.linear.scatter [tilespmem:s0], [sflag:$0x2], $0x18000, $0x38;
	[tilespmem:$0x18080] =	vst v63  }
0x158: {  	_ =	swait.ge [sflag:s7], $0x18000  }
0x159: {  	[sflag:s7] =	ssyncset.done $0x0  }
0x15a: {  	s6 =	sadd.s32 $0xFFFFFFFF, s6;
	[sflag:s7] =	ssyncadd.s32 $0xFFFE8000  }
0x15b: {  	_ =	sfence.sel $0x180000  }
0x15c: {  	[bflag:$0x0] =	sbarrier.arrive $0xFFFF  }
0x15d: {  	_ =	strace $0x9000004A  }
0x15e: {  	s0 =	stileid.u32;
	[bflag:$0x2] =	sbarrier.arrive $0xFFFF  }
0x15f: {  	p0 =	sne.s32 s0, $0x0;
	s0 =	rddreg [dreg:$0x2]  }
0x160: {  	s0 =	sadd.s32 @!p0 $0x100000, s0  }
0x161: {  	[sflag:s0] =	ssyncadd.tile.s32 @!p0 $0x1;
	_ =	shalt  }
.Lfunc_end2:
_tile_overlayer_lowered:
.L_overlay_start_2:
0x162: {  	(tag) =	ssettag $0x2  }
0x163: {  	s0 =	rddreg [dreg:$0x0];
	s2 =	stileid.u32  }
0x164: {  	s1 =	rddreg [dreg:$0x1];
	p0 =	sne.s32 s2, $0x0  }
0x165: {  	s3 =	rddreg [dreg:$0x2];
	[bflag:$0x3] =	sbarrier.arrive $0xFFFF;
	s2 =	simm.s32 @!p0 $0x1C02  }
0x166: {  	[timem:s3], [sflag:s2] =	dma.local @!p0 [hbm:s0], s1  }
0x167: {  	s0 =	simm.s32 @!p0 $0x2  }
0x168: {  	_ =	swait.ge @!p0 [sflag:s0], s1  }
0x169: {  	s1 =	ssub.s32 @!p0 $0x0, s1;
	[sflag:s0] =	ssyncset.done @!p0 $0x0  }
0x16a: {  	[sflag:s0] =	ssyncadd.s32 @!p0 s1  }
0x16b: {  	[bflag:$0x3] =	sbarrier.arrive $0xFFFF  }
0x16c: {  	_ =	shalt  }

</sc_bundles>
